<compile_context>
chip_gen: v7x
topology: tpu7x:2x2x1
jax: 0.10.2.dev20260603
libtpu: 0.0.44.dev20260713+nightly
codegen_flags: <defaults>
</compile_context>

<pallas_src>
import functools

import jax
import jax.numpy as jnp
from jax import lax
from jax.experimental import pallas as pl
from jax.experimental.pallas import tpu as pltpu
from jax.experimental.pallas import tpu_sc as plsc

_GRP = 512


@functools.lru_cache(maxsize=None)
def _make_gather(n_rows, d):
    info = plsc.get_sparse_core_info()
    nw = info.num_cores * info.num_subcores
    nc = info.num_cores
    assert n_rows % (nw * _GRP) == 0
    groups_per_w = n_rows // (nw * _GRP)
    assert groups_per_w % 2 == 0 and groups_per_w >= 4
    n_groups = n_rows // _GRP

    mesh = plsc.VectorSubcoreMesh(core_axis_name="c", subcore_axis_name="s")

    @functools.partial(
        pl.kernel,
        mesh=mesh,
        out_type=jax.ShapeDtypeStruct((n_groups, _GRP, d), jnp.float32),
        compiler_params=pltpu.CompilerParams(use_tc_tiling_on_sc=False),
        scratch_types=[
            pltpu.VMEM((2, _GRP), jnp.int32),
            pltpu.VMEM((2, _GRP, d), jnp.float32),
            pltpu.SemaphoreType.DMA,
            pltpu.SemaphoreType.DMA,
            pltpu.SemaphoreType.DMA,
            pltpu.SemaphoreType.DMA,
            pltpu.SemaphoreType.DMA,
            pltpu.SemaphoreType.DMA,
        ],
    )
    def gather_kernel(table_hbm, idx_hbm, out_hbm, idx_v, rows_v,
                      isem0, isem1, gsem0, gsem1, osem0, osem1):
        isem = (isem0, isem1)
        gsem = (gsem0, gsem1)
        osem = (osem0, osem1)
        wid = lax.axis_index("s") * nc + lax.axis_index("c")
        g0 = wid * groups_per_w

        def fire_idx(grp, p):
            pltpu.async_copy(idx_hbm.at[grp], idx_v.at[p], isem[p])

        def wait_idx(p):
            pltpu.make_async_copy(idx_hbm.at[0], idx_v.at[p], isem[p]).wait()

        def fire_gather(p):
            def rb_body(rb, carry):
                iv = idx_v[p, pl.ds(rb * 16, 16)]
                pltpu.async_copy(
                    table_hbm.at[iv], rows_v.at[p, pl.ds(rb * 16, 16)],
                    gsem[p])
                return carry

            lax.fori_loop(0, _GRP // 16, rb_body, 0)

        def wait_gather(p):
            def w_body(n, carry):
                pltpu.make_async_copy(
                    table_hbm.at[pl.ds(0, 16)],
                    rows_v.at[p, pl.ds(0, 16)], gsem[p]).wait()
                return carry

            lax.fori_loop(0, _GRP // 16, w_body, 0)

        def fire_write(grp, p):
            pltpu.async_copy(rows_v.at[p], out_hbm.at[grp], osem[p])

        def wait_write(p):
            pltpu.make_async_copy(rows_v.at[p], out_hbm.at[0], osem[p]).wait()

        fire_idx(g0, 0)
        wait_idx(0)
        fire_gather(0)
        fire_idx(g0 + 1, 1)
        wait_idx(1)
        wait_gather(0)
        fire_gather(1)
        fire_write(g0, 0)
        fire_idx(g0 + 2, 0)

        def body(u, carry):
            t0 = 2 * u
            wait_write(0)
            wait_idx(0)
            wait_gather(1)
            fire_gather(0)
            fire_write(g0 + t0 - 1, 1)
            fire_idx(g0 + (t0 + 1) % groups_per_w, 1)
            wait_write(1)
            wait_idx(1)
            wait_gather(0)
            fire_gather(1)
            fire_write(g0 + t0, 0)
            fire_idx(g0 + (t0 + 2) % groups_per_w, 0)
            return carry

        lax.fori_loop(1, groups_per_w // 2, body, 0)

        wait_gather(1)
        fire_write(g0 + groups_per_w - 1, 1)
        wait_write(0)
        wait_write(1)
        wait_idx(0)

    return gather_kernel


def kernel(indices, tables):
    f, v, d = tables.shape
    b = indices.shape[0]
    n_rows = b * f
    flat_idx = (
        indices.astype(jnp.int32) + (jnp.arange(f, dtype=jnp.int32) * v)[None, :]
    ).reshape(n_rows // _GRP, _GRP)
    table2d = tables.reshape(f * v, d)
    out = _make_gather(n_rows, d)(table2d, flat_idx)
    return out.reshape(b, f, d)

# --- scband reference (transcript-rebuilt; emitter-appended) ---
"""Pipeline reference for scband-embedding-layers-19370302505560 (READ-ONLY COPY).

The authoritative reference and input builder live on the scoring server;
editing this copy changes nothing except your own understanding.
"""

import jax, jax.numpy as jnp
import numpy as np

B = 16384
F = 26
V = 100000
D = 64

def setup_inputs(seed: int = 0) -> dict:
    key = jax.random.key(seed)
    k1, k2 = jax.random.split(key)
    indices = jax.random.randint(k1, (B, F), 0, V)
    tables = jax.random.normal(k2, (F, V, D), dtype=jnp.float32) * 0.02
    # padding_idx=0: row 0 of each table is zero
    tables = tables.at[:, 0, :].set(0.0)
    return {"indices": indices, "tables": tables}

def reference(indices, tables):
    # EmbeddingLayers.forward: per-field nn.Embedding lookup (padding_idx=0),
    # returning per-field embeddings (stacked along field axis).
    t = tables.at[:, 0, :].set(0.0)  # enforce padding row semantics
    field_ids = jnp.arange(F)[None, :]          # [1, F]
    out = t[field_ids, indices]                  # gather -> [B, F, D]
    return out

if __name__ == "__main__":
    import jax
    _d = setup_inputs()
    print(jax.jit(kernel)(*tuple(_d.values())))

</pallas_src>

<mosaic_0001>
#map = affine_map<(d0, d1) -> (0, 0)>
#map1 = affine_map<(d0, d1) -> (0, 0, 0)>
module attributes {stable_mosaic.version = 14 : i64} {
  func.func @gather_kernel(%arg0: i32, %arg1: i32, %arg2: memref<2600000x64xf32, #tpu.memory_space<hbm>>, %arg3: memref<832x512xi32, #tpu.memory_space<hbm>>, %arg4: memref<832x512x64xf32, #tpu.memory_space<hbm>>, %arg5: memref<2x512xi32, #tpu.memory_space<vmem>>, %arg6: memref<2x512x64xf32, #tpu.memory_space<vmem>>, %arg7: memref<!tpu.dma_semaphore, #tpu.memory_space<semaphore_mem>>, %arg8: memref<!tpu.dma_semaphore, #tpu.memory_space<semaphore_mem>>, %arg9: memref<!tpu.dma_semaphore, #tpu.memory_space<semaphore_mem>>, %arg10: memref<!tpu.dma_semaphore, #tpu.memory_space<semaphore_mem>>, %arg11: memref<!tpu.dma_semaphore, #tpu.memory_space<semaphore_mem>>, %arg12: memref<!tpu.dma_semaphore, #tpu.memory_space<semaphore_mem>>) attributes {dimension_semantics = [#tpu.dimension_semantics<core_parallel>, #tpu.dimension_semantics<subcore_parallel>], iteration_bounds = array<i64: 2, 16>, scalar_prefetch = 0 : i64, scratch_operands = 8 : i64, tpu.core_type = #tpu.core_type<sc_vector_subcore>, window_params = [{transform_indices = #map}, {transform_indices = #map}, {transform_indices = #map1}]} {
    %mul3A = arith.constant 2 : i32
    %mul3A_0 = arith.muli %arg1, %mul3A : i32
    %add3A = arith.addi %mul3A_0, %arg0 : i32
    %mul3A_1 = arith.constant 26 : i32
    %mul3A_2 = arith.muli %add3A, %mul3A_1 : i32
    %dma_start3A = arith.constant 0 : i32
    %dma_start3A_3 = arith.constant 0 : i32
    %dma_start3A_4 = tpu.memref_slice %arg5[%dma_start3A, %dma_start3A_3] : memref<2x512xi32, #tpu.memory_space<vmem>> -> memref<1x512xi32, #tpu.memory_space<vmem>>
    %dma_start3A_5 = tpu.memref_squeeze %dma_start3A_4 : memref<1x512xi32, #tpu.memory_space<vmem>> -> memref<512xi32, #tpu.memory_space<vmem>>
    %dma_start3A_6 = arith.constant 0 : i32
    %dma_start3A_7 = tpu.memref_slice %arg3[%mul3A_2, %dma_start3A_6] : memref<832x512xi32, #tpu.memory_space<hbm>> -> memref<1x512xi32, #tpu.memory_space<hbm>>
    %dma_start3A_8 = tpu.memref_squeeze %dma_start3A_7 : memref<1x512xi32, #tpu.memory_space<hbm>> -> memref<512xi32, #tpu.memory_space<hbm>>
    %dma_start3A_9 = arith.constant 0 : i32
    %dma_start3A_10 = tpu.memref_slice %arg5[%dma_start3A, %dma_start3A_9] : memref<2x512xi32, #tpu.memory_space<vmem>> -> memref<1x512xi32, #tpu.memory_space<vmem>>
    %dma_start3A_11 = tpu.memref_squeeze %dma_start3A_10 : memref<1x512xi32, #tpu.memory_space<vmem>> -> memref<512xi32, #tpu.memory_space<vmem>>
    %dma_start3A_12 = arith.constant 0 : i32
    %dma_start3A_13 = tpu.memref_slice %arg3[%mul3A_2, %dma_start3A_12] : memref<832x512xi32, #tpu.memory_space<hbm>> -> memref<1x512xi32, #tpu.memory_space<hbm>>
    %dma_start3A_14 = tpu.memref_squeeze %dma_start3A_13 : memref<1x512xi32, #tpu.memory_space<hbm>> -> memref<512xi32, #tpu.memory_space<hbm>>
    tpu.enqueue_dma source(%dma_start3A_14 : memref<512xi32, #tpu.memory_space<hbm>>) target(%dma_start3A_11 : memref<512xi32, #tpu.memory_space<vmem>>) target_semaphore(%arg7 : memref<!tpu.dma_semaphore, #tpu.memory_space<semaphore_mem>>)
    %dma_wait3A = arith.constant 0 : i32
    %dma_wait3A_15 = arith.constant 0 : i32
    %dma_wait3A_16 = arith.constant 0 : i32
    %dma_wait3A_17 = tpu.memref_slice %arg5[%dma_wait3A_15, %dma_wait3A_16] : memref<2x512xi32, #tpu.memory_space<vmem>> -> memref<1x512xi32, #tpu.memory_space<vmem>>
    %dma_wait3A_18 = tpu.memref_squeeze %dma_wait3A_17 : memref<1x512xi32, #tpu.memory_space<vmem>> -> memref<512xi32, #tpu.memory_space<vmem>>
    %dma_wait3A_19 = arith.constant 0 : i32
    %dma_wait3A_20 = tpu.memref_slice %arg3[%dma_wait3A, %dma_wait3A_19] : memref<832x512xi32, #tpu.memory_space<hbm>> -> memref<1x512xi32, #tpu.memory_space<hbm>>
    %dma_wait3A_21 = tpu.memref_squeeze %dma_wait3A_20 : memref<1x512xi32, #tpu.memory_space<hbm>> -> memref<512xi32, #tpu.memory_space<hbm>>
    %dma_wait3A_22 = arith.constant 0 : i32
    %dma_wait3A_23 = tpu.memref_slice %arg5[%dma_wait3A_15, %dma_wait3A_22] : memref<2x512xi32, #tpu.memory_space<vmem>> -> memref<1x512xi32, #tpu.memory_space<vmem>>
    %dma_wait3A_24 = tpu.memref_squeeze %dma_wait3A_23 : memref<1x512xi32, #tpu.memory_space<vmem>> -> memref<512xi32, #tpu.memory_space<vmem>>
    %dma_wait3A_25 = arith.constant 0 : i32
    %dma_wait3A_26 = tpu.memref_slice %arg3[%dma_wait3A, %dma_wait3A_25] : memref<832x512xi32, #tpu.memory_space<hbm>> -> memref<1x512xi32, #tpu.memory_space<hbm>>
    %dma_wait3A_27 = tpu.memref_squeeze %dma_wait3A_26 : memref<1x512xi32, #tpu.memory_space<hbm>> -> memref<512xi32, #tpu.memory_space<hbm>>
    tpu.wait_dma2 semaphore(%arg7 : memref<!tpu.dma_semaphore, #tpu.memory_space<semaphore_mem>>) src(%dma_wait3A_27 : memref<512xi32, #tpu.memory_space<hbm>>) dst(%dma_wait3A_24 : memref<512xi32, #tpu.memory_space<vmem>>)
    %scan3A = arith.constant 0 : i32
    %scan3A_28 = arith.constant 0 : i32
    %scan3A_29 = arith.constant 32 : i32
    %scan3A_30 = arith.addi %scan3A_28, %scan3A_29 : i32
    %scan3A_31 = arith.constant 1 : i32
    scf.for %scan3A_188 = %scan3A_28 to %scan3A_30 step %scan3A_31  : i32 {
      %mul3A_189 = arith.constant 16 : i32
      %mul3A_190 = arith.muli %scan3A_188, %mul3A_189 : i32
      %get3A = arith.constant 0 : i32
      %get3A_191 = arith.index_cast %get3A : i32 to index
      %get3A_192 = arith.index_cast %mul3A_190 : i32 to index
      %get3A_193 = tpu.vector_load %arg5[%get3A_191, %get3A_192] {strides = array<i32>} : memref<2x512xi32, #tpu.memory_space<vmem>>, vector<1x16xi32>,
      %get3A_194 = vector.shape_cast %get3A_193 : vector<1x16xi32> to vector<16xi32>
      %mul3A_195 = arith.constant 16 : i32
      %mul3A_196 = arith.muli %scan3A_188, %mul3A_195 : i32
      %dma_start3A_197 = arith.constant 0 : i32
      %dma_start3A_198 = arith.constant 0 : i32
      %dma_start3A_199 = tpu.memref_slice %arg6[%dma_start3A_197, %mul3A_196, %dma_start3A_198] : memref<2x512x64xf32, #tpu.memory_space<vmem>> -> memref<1x16x64xf32, #tpu.memory_space<vmem>>
      %dma_start3A_200 = tpu.memref_squeeze %dma_start3A_199 : memref<1x16x64xf32, #tpu.memory_space<vmem>> -> memref<16x64xf32, #tpu.memory_space<vmem>>
      %dma_start3A_201 = arith.constant 0 : i32
      %dma_start3A_202 = arith.constant 0 : i32
      %dma_start3A_203 = tpu.memref_slice %arg2[%dma_start3A_201, %dma_start3A_202] : memref<2600000x64xf32, #tpu.memory_space<hbm>> -> memref<2600000x64xf32, #tpu.memory_space<hbm>>
      tpu.enqueue_indirect_dma source(%dma_start3A_203 : memref<2600000x64xf32, #tpu.memory_space<hbm>>) target(%dma_start3A_200 : memref<16x64xf32, #tpu.memory_space<vmem>>) offsets(%get3A_194 : vector<16xi32>) semaphore(%arg9 : memref<!tpu.dma_semaphore, #tpu.memory_space<semaphore_mem>>)
    }
    %scan3A_32 = arith.constant 32 : i32
    %add3A_33 = arith.constant 1 : i32
    %add3A_34 = arith.addi %mul3A_2, %add3A_33 : i32
    %dma_start3A_35 = arith.constant 1 : i32
    %dma_start3A_36 = arith.constant 0 : i32
    %dma_start3A_37 = tpu.memref_slice %arg5[%dma_start3A_35, %dma_start3A_36] : memref<2x512xi32, #tpu.memory_space<vmem>> -> memref<1x512xi32, #tpu.memory_space<vmem>>
    %dma_start3A_38 = tpu.memref_squeeze %dma_start3A_37 : memref<1x512xi32, #tpu.memory_space<vmem>> -> memref<512xi32, #tpu.memory_space<vmem>>
    %dma_start3A_39 = arith.constant 0 : i32
    %dma_start3A_40 = tpu.memref_slice %arg3[%add3A_34, %dma_start3A_39] : memref<832x512xi32, #tpu.memory_space<hbm>> -> memref<1x512xi32, #tpu.memory_space<hbm>>
    %dma_start3A_41 = tpu.memref_squeeze %dma_start3A_40 : memref<1x512xi32, #tpu.memory_space<hbm>> -> memref<512xi32, #tpu.memory_space<hbm>>
    %dma_start3A_42 = arith.constant 0 : i32
    %dma_start3A_43 = tpu.memref_slice %arg5[%dma_start3A_35, %dma_start3A_42] : memref<2x512xi32, #tpu.memory_space<vmem>> -> memref<1x512xi32, #tpu.memory_space<vmem>>
    %dma_start3A_44 = tpu.memref_squeeze %dma_start3A_43 : memref<1x512xi32, #tpu.memory_space<vmem>> -> memref<512xi32, #tpu.memory_space<vmem>>
    %dma_start3A_45 = arith.constant 0 : i32
    %dma_start3A_46 = tpu.memref_slice %arg3[%add3A_34, %dma_start3A_45] : memref<832x512xi32, #tpu.memory_space<hbm>> -> memref<1x512xi32, #tpu.memory_space<hbm>>
    %dma_start3A_47 = tpu.memref_squeeze %dma_start3A_46 : memref<1x512xi32, #tpu.memory_space<hbm>> -> memref<512xi32, #tpu.memory_space<hbm>>
    tpu.enqueue_dma source(%dma_start3A_47 : memref<512xi32, #tpu.memory_space<hbm>>) target(%dma_start3A_44 : memref<512xi32, #tpu.memory_space<vmem>>) target_semaphore(%arg8 : memref<!tpu.dma_semaphore, #tpu.memory_space<semaphore_mem>>)
    %dma_wait3A_48 = arith.constant 0 : i32
    %dma_wait3A_49 = arith.constant 1 : i32
    %dma_wait3A_50 = arith.constant 0 : i32
    %dma_wait3A_51 = tpu.memref_slice %arg5[%dma_wait3A_49, %dma_wait3A_50] : memref<2x512xi32, #tpu.memory_space<vmem>> -> memref<1x512xi32, #tpu.memory_space<vmem>>
    %dma_wait3A_52 = tpu.memref_squeeze %dma_wait3A_51 : memref<1x512xi32, #tpu.memory_space<vmem>> -> memref<512xi32, #tpu.memory_space<vmem>>
    %dma_wait3A_53 = arith.constant 0 : i32
    %dma_wait3A_54 = tpu.memref_slice %arg3[%dma_wait3A_48, %dma_wait3A_53] : memref<832x512xi32, #tpu.memory_space<hbm>> -> memref<1x512xi32, #tpu.memory_space<hbm>>
    %dma_wait3A_55 = tpu.memref_squeeze %dma_wait3A_54 : memref<1x512xi32, #tpu.memory_space<hbm>> -> memref<512xi32, #tpu.memory_space<hbm>>
    %dma_wait3A_56 = arith.constant 0 : i32
    %dma_wait3A_57 = tpu.memref_slice %arg5[%dma_wait3A_49, %dma_wait3A_56] : memref<2x512xi32, #tpu.memory_space<vmem>> -> memref<1x512xi32, #tpu.memory_space<vmem>>
    %dma_wait3A_58 = tpu.memref_squeeze %dma_wait3A_57 : memref<1x512xi32, #tpu.memory_space<vmem>> -> memref<512xi32, #tpu.memory_space<vmem>>
    %dma_wait3A_59 = arith.constant 0 : i32
    %dma_wait3A_60 = tpu.memref_slice %arg3[%dma_wait3A_48, %dma_wait3A_59] : memref<832x512xi32, #tpu.memory_space<hbm>> -> memref<1x512xi32, #tpu.memory_space<hbm>>
    %dma_wait3A_61 = tpu.memref_squeeze %dma_wait3A_60 : memref<1x512xi32, #tpu.memory_space<hbm>> -> memref<512xi32, #tpu.memory_space<hbm>>
    tpu.wait_dma2 semaphore(%arg8 : memref<!tpu.dma_semaphore, #tpu.memory_space<semaphore_mem>>) src(%dma_wait3A_61 : memref<512xi32, #tpu.memory_space<hbm>>) dst(%dma_wait3A_58 : memref<512xi32, #tpu.memory_space<vmem>>)
    %scan3A_62 = arith.constant 0 : i32
    %scan3A_63 = arith.constant 0 : i32
    %scan3A_64 = arith.constant 32 : i32
    %scan3A_65 = arith.addi %scan3A_63, %scan3A_64 : i32
    %scan3A_66 = arith.constant 1 : i32
    scf.for %scan3A_188 = %scan3A_63 to %scan3A_65 step %scan3A_66  : i32 {
      %dma_wait3A_189 = arith.constant 0 : i32
      %dma_wait3A_190 = arith.constant 0 : i32
      %dma_wait3A_191 = arith.constant 0 : i32
      %dma_wait3A_192 = tpu.memref_slice %arg6[%dma_wait3A_189, %dma_wait3A_190, %dma_wait3A_191] : memref<2x512x64xf32, #tpu.memory_space<vmem>> -> memref<1x16x64xf32, #tpu.memory_space<vmem>>
      %dma_wait3A_193 = tpu.memref_squeeze %dma_wait3A_192 : memref<1x16x64xf32, #tpu.memory_space<vmem>> -> memref<16x64xf32, #tpu.memory_space<vmem>>
      %dma_wait3A_194 = arith.constant 0 : i32
      %dma_wait3A_195 = arith.constant 0 : i32
      %dma_wait3A_196 = tpu.memref_slice %arg2[%dma_wait3A_194, %dma_wait3A_195] : memref<2600000x64xf32, #tpu.memory_space<hbm>> -> memref<16x64xf32, #tpu.memory_space<hbm>>
      %dma_wait3A_197 = arith.constant 0 : i32
      %dma_wait3A_198 = arith.constant 0 : i32
      %dma_wait3A_199 = tpu.memref_slice %arg6[%dma_wait3A_189, %dma_wait3A_197, %dma_wait3A_198] : memref<2x512x64xf32, #tpu.memory_space<vmem>> -> memref<1x16x64xf32, #tpu.memory_space<vmem>>
      %dma_wait3A_200 = tpu.memref_squeeze %dma_wait3A_199 : memref<1x16x64xf32, #tpu.memory_space<vmem>> -> memref<16x64xf32, #tpu.memory_space<vmem>>
      %dma_wait3A_201 = arith.constant 0 : i32
      %dma_wait3A_202 = arith.constant 0 : i32
      %dma_wait3A_203 = tpu.memref_slice %arg2[%dma_wait3A_201, %dma_wait3A_202] : memref<2600000x64xf32, #tpu.memory_space<hbm>> -> memref<16x64xf32, #tpu.memory_space<hbm>>
      tpu.wait_dma2 semaphore(%arg9 : memref<!tpu.dma_semaphore, #tpu.memory_space<semaphore_mem>>) src(%dma_wait3A_203 : memref<16x64xf32, #tpu.memory_space<hbm>>) dst(%dma_wait3A_200 : memref<16x64xf32, #tpu.memory_space<vmem>>)
    }
    %scan3A_67 = arith.constant 32 : i32
    %scan3A_68 = arith.constant 0 : i32
    %scan3A_69 = arith.constant 0 : i32
    %scan3A_70 = arith.constant 32 : i32
    %scan3A_71 = arith.addi %scan3A_69, %scan3A_70 : i32
    %scan3A_72 = arith.constant 1 : i32
    scf.for %scan3A_188 = %scan3A_69 to %scan3A_71 step %scan3A_72  : i32 {
      %mul3A_189 = arith.constant 16 : i32
      %mul3A_190 = arith.muli %scan3A_188, %mul3A_189 : i32
      %get3A = arith.constant 1 : i32
      %get3A_191 = arith.index_cast %get3A : i32 to index
      %get3A_192 = arith.index_cast %mul3A_190 : i32 to index
      %get3A_193 = tpu.vector_load %arg5[%get3A_191, %get3A_192] {strides = array<i32>} : memref<2x512xi32, #tpu.memory_space<vmem>>, vector<1x16xi32>,
      %get3A_194 = vector.shape_cast %get3A_193 : vector<1x16xi32> to vector<16xi32>
      %mul3A_195 = arith.constant 16 : i32
      %mul3A_196 = arith.muli %scan3A_188, %mul3A_195 : i32
      %dma_start3A_197 = arith.constant 1 : i32
      %dma_start3A_198 = arith.constant 0 : i32
      %dma_start3A_199 = tpu.memref_slice %arg6[%dma_start3A_197, %mul3A_196, %dma_start3A_198] : memref<2x512x64xf32, #tpu.memory_space<vmem>> -> memref<1x16x64xf32, #tpu.memory_space<vmem>>
      %dma_start3A_200 = tpu.memref_squeeze %dma_start3A_199 : memref<1x16x64xf32, #tpu.memory_space<vmem>> -> memref<16x64xf32, #tpu.memory_space<vmem>>
      %dma_start3A_201 = arith.constant 0 : i32
      %dma_start3A_202 = arith.constant 0 : i32
      %dma_start3A_203 = tpu.memref_slice %arg2[%dma_start3A_201, %dma_start3A_202] : memref<2600000x64xf32, #tpu.memory_space<hbm>> -> memref<2600000x64xf32, #tpu.memory_space<hbm>>
      tpu.enqueue_indirect_dma source(%dma_start3A_203 : memref<2600000x64xf32, #tpu.memory_space<hbm>>) target(%dma_start3A_200 : memref<16x64xf32, #tpu.memory_space<vmem>>) offsets(%get3A_194 : vector<16xi32>) semaphore(%arg10 : memref<!tpu.dma_semaphore, #tpu.memory_space<semaphore_mem>>)
    }
    %scan3A_73 = arith.constant 32 : i32
    %dma_start3A_74 = arith.constant 0 : i32
    %dma_start3A_75 = arith.constant 0 : i32
    %dma_start3A_76 = arith.constant 0 : i32
    %dma_start3A_77 = tpu.memref_slice %arg6[%dma_start3A_74, %dma_start3A_75, %dma_start3A_76] : memref<2x512x64xf32, #tpu.memory_space<vmem>> -> memref<1x512x64xf32, #tpu.memory_space<vmem>>
    %dma_start3A_78 = tpu.memref_squeeze %dma_start3A_77 : memref<1x512x64xf32, #tpu.memory_space<vmem>> -> memref<512x64xf32, #tpu.memory_space<vmem>>
    %dma_start3A_79 = arith.constant 0 : i32
    %dma_start3A_80 = arith.constant 0 : i32
    %dma_start3A_81 = tpu.memref_slice %arg4[%mul3A_2, %dma_start3A_79, %dma_start3A_80] : memref<832x512x64xf32, #tpu.memory_space<hbm>> -> memref<1x512x64xf32, #tpu.memory_space<hbm>>
    %dma_start3A_82 = tpu.memref_squeeze %dma_start3A_81 : memref<1x512x64xf32, #tpu.memory_space<hbm>> -> memref<512x64xf32, #tpu.memory_space<hbm>>
    %dma_start3A_83 = arith.constant 0 : i32
    %dma_start3A_84 = arith.constant 0 : i32
    %dma_start3A_85 = tpu.memref_slice %arg4[%mul3A_2, %dma_start3A_83, %dma_start3A_84] : memref<832x512x64xf32, #tpu.memory_space<hbm>> -> memref<1x512x64xf32, #tpu.memory_space<hbm>>
    %dma_start3A_86 = tpu.memref_squeeze %dma_start3A_85 : memref<1x512x64xf32, #tpu.memory_space<hbm>> -> memref<512x64xf32, #tpu.memory_space<hbm>>
    %dma_start3A_87 = arith.constant 0 : i32
    %dma_start3A_88 = arith.constant 0 : i32
    %dma_start3A_89 = tpu.memref_slice %arg6[%dma_start3A_74, %dma_start3A_87, %dma_start3A_88] : memref<2x512x64xf32, #tpu.memory_space<vmem>> -> memref<1x512x64xf32, #tpu.memory_space<vmem>>
    %dma_start3A_90 = tpu.memref_squeeze %dma_start3A_89 : memref<1x512x64xf32, #tpu.memory_space<vmem>> -> memref<512x64xf32, #tpu.memory_space<vmem>>
    tpu.enqueue_dma source(%dma_start3A_90 : memref<512x64xf32, #tpu.memory_space<vmem>>) target(%dma_start3A_86 : memref<512x64xf32, #tpu.memory_space<hbm>>) target_semaphore(%arg11 : memref<!tpu.dma_semaphore, #tpu.memory_space<semaphore_mem>>)
    %add3A_91 = arith.constant 2 : i32
    %add3A_92 = arith.addi %mul3A_2, %add3A_91 : i32
    %dma_start3A_93 = arith.constant 0 : i32
    %dma_start3A_94 = arith.constant 0 : i32
    %dma_start3A_95 = tpu.memref_slice %arg5[%dma_start3A_93, %dma_start3A_94] : memref<2x512xi32, #tpu.memory_space<vmem>> -> memref<1x512xi32, #tpu.memory_space<vmem>>
    %dma_start3A_96 = tpu.memref_squeeze %dma_start3A_95 : memref<1x512xi32, #tpu.memory_space<vmem>> -> memref<512xi32, #tpu.memory_space<vmem>>
    %dma_start3A_97 = arith.constant 0 : i32
    %dma_start3A_98 = tpu.memref_slice %arg3[%add3A_92, %dma_start3A_97] : memref<832x512xi32, #tpu.memory_space<hbm>> -> memref<1x512xi32, #tpu.memory_space<hbm>>
    %dma_start3A_99 = tpu.memref_squeeze %dma_start3A_98 : memref<1x512xi32, #tpu.memory_space<hbm>> -> memref<512xi32, #tpu.memory_space<hbm>>
    %dma_start3A_100 = arith.constant 0 : i32
    %dma_start3A_101 = tpu.memref_slice %arg5[%dma_start3A_93, %dma_start3A_100] : memref<2x512xi32, #tpu.memory_space<vmem>> -> memref<1x512xi32, #tpu.memory_space<vmem>>
    %dma_start3A_102 = tpu.memref_squeeze %dma_start3A_101 : memref<1x512xi32, #tpu.memory_space<vmem>> -> memref<512xi32, #tpu.memory_space<vmem>>
    %dma_start3A_103 = arith.constant 0 : i32
    %dma_start3A_104 = tpu.memref_slice %arg3[%add3A_92, %dma_start3A_103] : memref<832x512xi32, #tpu.memory_space<hbm>> -> memref<1x512xi32, #tpu.memory_space<hbm>>
    %dma_start3A_105 = tpu.memref_squeeze %dma_start3A_104 : memref<1x512xi32, #tpu.memory_space<hbm>> -> memref<512xi32, #tpu.memory_space<hbm>>
    tpu.enqueue_dma source(%dma_start3A_105 : memref<512xi32, #tpu.memory_space<hbm>>) target(%dma_start3A_102 : memref<512xi32, #tpu.memory_space<vmem>>) target_semaphore(%arg7 : memref<!tpu.dma_semaphore, #tpu.memory_space<semaphore_mem>>)
    %scan3A_106 = arith.constant 0 : i32
    %scan3A_107 = arith.constant 1 : i32
    %scan3A_108 = arith.constant 12 : i32
    %scan3A_109 = arith.addi %scan3A_107, %scan3A_108 : i32
    %scan3A_110 = arith.constant 1 : i32
    scf.for %scan3A_188 = %scan3A_107 to %scan3A_109 step %scan3A_110  : i32 {
      %mul3A_189 = arith.constant 2 : i32
      %mul3A_190 = arith.muli %mul3A_189, %scan3A_188 : i32
      %dma_wait3A_191 = arith.constant 0 : i32
      %dma_wait3A_192 = arith.constant 0 : i32
      %dma_wait3A_193 = arith.constant 0 : i32
      %dma_wait3A_194 = arith.constant 0 : i32
      %dma_wait3A_195 = tpu.memref_slice %arg6[%dma_wait3A_191, %dma_wait3A_193, %dma_wait3A_194] : memref<2x512x64xf32, #tpu.memory_space<vmem>> -> memref<1x512x64xf32, #tpu.memory_space<vmem>>
      %dma_wait3A_196 = tpu.memref_squeeze %dma_wait3A_195 : memref<1x512x64xf32, #tpu.memory_space<vmem>> -> memref<512x64xf32, #tpu.memory_space<vmem>>
      %dma_wait3A_197 = arith.constant 0 : i32
      %dma_wait3A_198 = arith.constant 0 : i32
      %dma_wait3A_199 = tpu.memref_slice %arg4[%dma_wait3A_192, %dma_wait3A_197, %dma_wait3A_198] : memref<832x512x64xf32, #tpu.memory_space<hbm>> -> memref<1x512x64xf32, #tpu.memory_space<hbm>>
      %dma_wait3A_200 = tpu.memref_squeeze %dma_wait3A_199 : memref<1x512x64xf32, #tpu.memory_space<hbm>> -> memref<512x64xf32, #tpu.memory_space<hbm>>
      %dma_wait3A_201 = arith.constant 0 : i32
      %dma_wait3A_202 = arith.constant 0 : i32
      %dma_wait3A_203 = tpu.memref_slice %arg4[%dma_wait3A_192, %dma_wait3A_201, %dma_wait3A_202] : memref<832x512x64xf32, #tpu.memory_space<hbm>> -> memref<1x512x64xf32, #tpu.memory_space<hbm>>
      %dma_wait3A_204 = tpu.memref_squeeze %dma_wait3A_203 : memref<1x512x64xf32, #tpu.memory_space<hbm>> -> memref<512x64xf32, #tpu.memory_space<hbm>>
      %dma_wait3A_205 = arith.constant 0 : i32
      %dma_wait3A_206 = arith.constant 0 : i32
      %dma_wait3A_207 = tpu.memref_slice %arg6[%dma_wait3A_191, %dma_wait3A_205, %dma_wait3A_206] : memref<2x512x64xf32, #tpu.memory_space<vmem>> -> memref<1x512x64xf32, #tpu.memory_space<vmem>>
      %dma_wait3A_208 = tpu.memref_squeeze %dma_wait3A_207 : memref<1x512x64xf32, #tpu.memory_space<vmem>> -> memref<512x64xf32, #tpu.memory_space<vmem>>
      tpu.wait_dma2 semaphore(%arg11 : memref<!tpu.dma_semaphore, #tpu.memory_space<semaphore_mem>>) src(%dma_wait3A_208 : memref<512x64xf32, #tpu.memory_space<vmem>>) dst(%dma_wait3A_204 : memref<512x64xf32, #tpu.memory_space<hbm>>)
      %dma_wait3A_209 = arith.constant 0 : i32
      %dma_wait3A_210 = arith.constant 0 : i32
      %dma_wait3A_211 = arith.constant 0 : i32
      %dma_wait3A_212 = tpu.memref_slice %arg5[%dma_wait3A_210, %dma_wait3A_211] : memref<2x512xi32, #tpu.memory_space<vmem>> -> memref<1x512xi32, #tpu.memory_space<vmem>>
      %dma_wait3A_213 = tpu.memref_squeeze %dma_wait3A_212 : memref<1x512xi32, #tpu.memory_space<vmem>> -> memref<512xi32, #tpu.memory_space<vmem>>
      %dma_wait3A_214 = arith.constant 0 : i32
      %dma_wait3A_215 = tpu.memref_slice %arg3[%dma_wait3A_209, %dma_wait3A_214] : memref<832x512xi32, #tpu.memory_space<hbm>> -> memref<1x512xi32, #tpu.memory_space<hbm>>
      %dma_wait3A_216 = tpu.memref_squeeze %dma_wait3A_215 : memref<1x512xi32, #tpu.memory_space<hbm>> -> memref<512xi32, #tpu.memory_space<hbm>>
      %dma_wait3A_217 = arith.constant 0 : i32
      %dma_wait3A_218 = tpu.memref_slice %arg5[%dma_wait3A_210, %dma_wait3A_217] : memref<2x512xi32, #tpu.memory_space<vmem>> -> memref<1x512xi32, #tpu.memory_space<vmem>>
      %dma_wait3A_219 = tpu.memref_squeeze %dma_wait3A_218 : memref<1x512xi32, #tpu.memory_space<vmem>> -> memref<512xi32, #tpu.memory_space<vmem>>
      %dma_wait3A_220 = arith.constant 0 : i32
      %dma_wait3A_221 = tpu.memref_slice %arg3[%dma_wait3A_209, %dma_wait3A_220] : memref<832x512xi32, #tpu.memory_space<hbm>> -> memref<1x512xi32, #tpu.memory_space<hbm>>
      %dma_wait3A_222 = tpu.memref_squeeze %dma_wait3A_221 : memref<1x512xi32, #tpu.memory_space<hbm>> -> memref<512xi32, #tpu.memory_space<hbm>>
      tpu.wait_dma2 semaphore(%arg7 : memref<!tpu.dma_semaphore, #tpu.memory_space<semaphore_mem>>) src(%dma_wait3A_222 : memref<512xi32, #tpu.memory_space<hbm>>) dst(%dma_wait3A_219 : memref<512xi32, #tpu.memory_space<vmem>>)
      %scan3A_223 = arith.constant 0 : i32
      %scan3A_224 = arith.constant 0 : i32
      %scan3A_225 = arith.constant 32 : i32
      %scan3A_226 = arith.addi %scan3A_224, %scan3A_225 : i32
      %scan3A_227 = arith.constant 1 : i32
      scf.for %scan3A_374 = %scan3A_224 to %scan3A_226 step %scan3A_227  : i32 {
        %dma_wait3A_375 = arith.constant 1 : i32
        %dma_wait3A_376 = arith.constant 0 : i32
        %dma_wait3A_377 = arith.constant 0 : i32
        %dma_wait3A_378 = tpu.memref_slice %arg6[%dma_wait3A_375, %dma_wait3A_376, %dma_wait3A_377] : memref<2x512x64xf32, #tpu.memory_space<vmem>> -> memref<1x16x64xf32, #tpu.memory_space<vmem>>
        %dma_wait3A_379 = tpu.memref_squeeze %dma_wait3A_378 : memref<1x16x64xf32, #tpu.memory_space<vmem>> -> memref<16x64xf32, #tpu.memory_space<vmem>>
        %dma_wait3A_380 = arith.constant 0 : i32
        %dma_wait3A_381 = arith.constant 0 : i32
        %dma_wait3A_382 = tpu.memref_slice %arg2[%dma_wait3A_380, %dma_wait3A_381] : memref<2600000x64xf32, #tpu.memory_space<hbm>> -> memref<16x64xf32, #tpu.memory_space<hbm>>
        %dma_wait3A_383 = arith.constant 0 : i32
        %dma_wait3A_384 = arith.constant 0 : i32
        %dma_wait3A_385 = tpu.memref_slice %arg6[%dma_wait3A_375, %dma_wait3A_383, %dma_wait3A_384] : memref<2x512x64xf32, #tpu.memory_space<vmem>> -> memref<1x16x64xf32, #tpu.memory_space<vmem>>
        %dma_wait3A_386 = tpu.memref_squeeze %dma_wait3A_385 : memref<1x16x64xf32, #tpu.memory_space<vmem>> -> memref<16x64xf32, #tpu.memory_space<vmem>>
        %dma_wait3A_387 = arith.constant 0 : i32
        %dma_wait3A_388 = arith.constant 0 : i32
        %dma_wait3A_389 = tpu.memref_slice %arg2[%dma_wait3A_387, %dma_wait3A_388] : memref<2600000x64xf32, #tpu.memory_space<hbm>> -> memref<16x64xf32, #tpu.memory_space<hbm>>
        tpu.wait_dma2 semaphore(%arg10 : memref<!tpu.dma_semaphore, #tpu.memory_space<semaphore_mem>>) src(%dma_wait3A_389 : memref<16x64xf32, #tpu.memory_space<hbm>>) dst(%dma_wait3A_386 : memref<16x64xf32, #tpu.memory_space<vmem>>)
      }
      %scan3A_228 = arith.constant 32 : i32
      %scan3A_229 = arith.constant 0 : i32
      %scan3A_230 = arith.constant 0 : i32
      %scan3A_231 = arith.constant 32 : i32
      %scan3A_232 = arith.addi %scan3A_230, %scan3A_231 : i32
      %scan3A_233 = arith.constant 1 : i32
      scf.for %scan3A_374 = %scan3A_230 to %scan3A_232 step %scan3A_233  : i32 {
        %mul3A_375 = arith.constant 16 : i32
        %mul3A_376 = arith.muli %scan3A_374, %mul3A_375 : i32
        %get3A = arith.constant 0 : i32
        %get3A_377 = arith.index_cast %get3A : i32 to index
        %get3A_378 = arith.index_cast %mul3A_376 : i32 to index
        %get3A_379 = tpu.vector_load %arg5[%get3A_377, %get3A_378] {strides = array<i32>} : memref<2x512xi32, #tpu.memory_space<vmem>>, vector<1x16xi32>,
        %get3A_380 = vector.shape_cast %get3A_379 : vector<1x16xi32> to vector<16xi32>
        %mul3A_381 = arith.constant 16 : i32
        %mul3A_382 = arith.muli %scan3A_374, %mul3A_381 : i32
        %dma_start3A_383 = arith.constant 0 : i32
        %dma_start3A_384 = arith.constant 0 : i32
        %dma_start3A_385 = tpu.memref_slice %arg6[%dma_start3A_383, %mul3A_382, %dma_start3A_384] : memref<2x512x64xf32, #tpu.memory_space<vmem>> -> memref<1x16x64xf32, #tpu.memory_space<vmem>>
        %dma_start3A_386 = tpu.memref_squeeze %dma_start3A_385 : memref<1x16x64xf32, #tpu.memory_space<vmem>> -> memref<16x64xf32, #tpu.memory_space<vmem>>
        %dma_start3A_387 = arith.constant 0 : i32
        %dma_start3A_388 = arith.constant 0 : i32
        %dma_start3A_389 = tpu.memref_slice %arg2[%dma_start3A_387, %dma_start3A_388] : memref<2600000x64xf32, #tpu.memory_space<hbm>> -> memref<2600000x64xf32, #tpu.memory_space<hbm>>
        tpu.enqueue_indirect_dma source(%dma_start3A_389 : memref<2600000x64xf32, #tpu.memory_space<hbm>>) target(%dma_start3A_386 : memref<16x64xf32, #tpu.memory_space<vmem>>) offsets(%get3A_380 : vector<16xi32>) semaphore(%arg9 : memref<!tpu.dma_semaphore, #tpu.memory_space<semaphore_mem>>)
      }
      %scan3A_234 = arith.constant 32 : i32
      %add3A_235 = arith.addi %mul3A_2, %mul3A_190 : i32
      %sub3A_236 = arith.constant 1 : i32
      %sub3A_237 = arith.subi %add3A_235, %sub3A_236 : i32
      %dma_start3A_238 = arith.constant 1 : i32
      %dma_start3A_239 = arith.constant 0 : i32
      %dma_start3A_240 = arith.constant 0 : i32
      %dma_start3A_241 = tpu.memref_slice %arg6[%dma_start3A_238, %dma_start3A_239, %dma_start3A_240] : memref<2x512x64xf32, #tpu.memory_space<vmem>> -> memref<1x512x64xf32, #tpu.memory_space<vmem>>
      %dma_start3A_242 = tpu.memref_squeeze %dma_start3A_241 : memref<1x512x64xf32, #tpu.memory_space<vmem>> -> memref<512x64xf32, #tpu.memory_space<vmem>>
      %dma_start3A_243 = arith.constant 0 : i32
      %dma_start3A_244 = arith.constant 0 : i32
      %dma_start3A_245 = tpu.memref_slice %arg4[%sub3A_237, %dma_start3A_243, %dma_start3A_244] : memref<832x512x64xf32, #tpu.memory_space<hbm>> -> memref<1x512x64xf32, #tpu.memory_space<hbm>>
      %dma_start3A_246 = tpu.memref_squeeze %dma_start3A_245 : memref<1x512x64xf32, #tpu.memory_space<hbm>> -> memref<512x64xf32, #tpu.memory_space<hbm>>
      %dma_start3A_247 = arith.constant 0 : i32
      %dma_start3A_248 = arith.constant 0 : i32
      %dma_start3A_249 = tpu.memref_slice %arg4[%sub3A_237, %dma_start3A_247, %dma_start3A_248] : memref<832x512x64xf32, #tpu.memory_space<hbm>> -> memref<1x512x64xf32, #tpu.memory_space<hbm>>
      %dma_start3A_250 = tpu.memref_squeeze %dma_start3A_249 : memref<1x512x64xf32, #tpu.memory_space<hbm>> -> memref<512x64xf32, #tpu.memory_space<hbm>>
      %dma_start3A_251 = arith.constant 0 : i32
      %dma_start3A_252 = arith.constant 0 : i32
      %dma_start3A_253 = tpu.memref_slice %arg6[%dma_start3A_238, %dma_start3A_251, %dma_start3A_252] : memref<2x512x64xf32, #tpu.memory_space<vmem>> -> memref<1x512x64xf32, #tpu.memory_space<vmem>>
      %dma_start3A_254 = tpu.memref_squeeze %dma_start3A_253 : memref<1x512x64xf32, #tpu.memory_space<vmem>> -> memref<512x64xf32, #tpu.memory_space<vmem>>
      tpu.enqueue_dma source(%dma_start3A_254 : memref<512x64xf32, #tpu.memory_space<vmem>>) target(%dma_start3A_250 : memref<512x64xf32, #tpu.memory_space<hbm>>) target_semaphore(%arg12 : memref<!tpu.dma_semaphore, #tpu.memory_space<semaphore_mem>>)
      %add3A_255 = arith.constant 1 : i32
      %add3A_256 = arith.addi %mul3A_190, %add3A_255 : i32
      %jit3A = arith.constant 26 : i32
      %eq3A = arith.constant 0 : i32
      %eq3A_257 = arith.cmpi eq, %jit3A, %eq3A : i32
      %jit3A_258 = arith.constant 1 : i32
      %select_n3A = arith.select %eq3A_257, %jit3A_258, %jit3A : i32
      %rem3A = arith.remsi %add3A_256, %select_n3A : i32
      %ne3A = arith.constant 0 : i32
      %ne3A_259 = arith.cmpi ne, %rem3A, %ne3A : i32
      %lt3A = arith.constant 0 : i32
      %lt3A_260 = arith.cmpi slt, %rem3A, %lt3A : i32
      %lt3A_261 = arith.constant 0 : i32
      %lt3A_262 = arith.cmpi slt, %select_n3A, %lt3A_261 : i32
      %ne3A_263 = arith.xori %lt3A_260, %lt3A_262 : i1
      %and3A = arith.andi %ne3A_263, %ne3A_259 : i1
      %add3A_264 = arith.addi %rem3A, %select_n3A : i32
      %select_n3A_265 = arith.select %and3A, %add3A_264, %rem3A : i32
      %add3A_266 = arith.addi %mul3A_2, %select_n3A_265 : i32
      %dma_start3A_267 = arith.constant 1 : i32
      %dma_start3A_268 = arith.constant 0 : i32
      %dma_start3A_269 = tpu.memref_slice %arg5[%dma_start3A_267, %dma_start3A_268] : memref<2x512xi32, #tpu.memory_space<vmem>> -> memref<1x512xi32, #tpu.memory_space<vmem>>
      %dma_start3A_270 = tpu.memref_squeeze %dma_start3A_269 : memref<1x512xi32, #tpu.memory_space<vmem>> -> memref<512xi32, #tpu.memory_space<vmem>>
      %dma_start3A_271 = arith.constant 0 : i32
      %dma_start3A_272 = tpu.memref_slice %arg3[%add3A_266, %dma_start3A_271] : memref<832x512xi32, #tpu.memory_space<hbm>> -> memref<1x512xi32, #tpu.memory_space<hbm>>
      %dma_start3A_273 = tpu.memref_squeeze %dma_start3A_272 : memref<1x512xi32, #tpu.memory_space<hbm>> -> memref<512xi32, #tpu.memory_space<hbm>>
      %dma_start3A_274 = arith.constant 0 : i32
      %dma_start3A_275 = tpu.memref_slice %arg5[%dma_start3A_267, %dma_start3A_274] : memref<2x512xi32, #tpu.memory_space<vmem>> -> memref<1x512xi32, #tpu.memory_space<vmem>>
      %dma_start3A_276 = tpu.memref_squeeze %dma_start3A_275 : memref<1x512xi32, #tpu.memory_space<vmem>> -> memref<512xi32, #tpu.memory_space<vmem>>
      %dma_start3A_277 = arith.constant 0 : i32
      %dma_start3A_278 = tpu.memref_slice %arg3[%add3A_266, %dma_start3A_277] : memref<832x512xi32, #tpu.memory_space<hbm>> -> memref<1x512xi32, #tpu.memory_space<hbm>>
      %dma_start3A_279 = tpu.memref_squeeze %dma_start3A_278 : memref<1x512xi32, #tpu.memory_space<hbm>> -> memref<512xi32, #tpu.memory_space<hbm>>
      tpu.enqueue_dma source(%dma_start3A_279 : memref<512xi32, #tpu.memory_space<hbm>>) target(%dma_start3A_276 : memref<512xi32, #tpu.memory_space<vmem>>) target_semaphore(%arg8 : memref<!tpu.dma_semaphore, #tpu.memory_space<semaphore_mem>>)
      %dma_wait3A_280 = arith.constant 1 : i32
      %dma_wait3A_281 = arith.constant 0 : i32
      %dma_wait3A_282 = arith.constant 0 : i32
      %dma_wait3A_283 = arith.constant 0 : i32
      %dma_wait3A_284 = tpu.memref_slice %arg6[%dma_wait3A_280, %dma_wait3A_282, %dma_wait3A_283] : memref<2x512x64xf32, #tpu.memory_space<vmem>> -> memref<1x512x64xf32, #tpu.memory_space<vmem>>
      %dma_wait3A_285 = tpu.memref_squeeze %dma_wait3A_284 : memref<1x512x64xf32, #tpu.memory_space<vmem>> -> memref<512x64xf32, #tpu.memory_space<vmem>>
      %dma_wait3A_286 = arith.constant 0 : i32
      %dma_wait3A_287 = arith.constant 0 : i32
      %dma_wait3A_288 = tpu.memref_slice %arg4[%dma_wait3A_281, %dma_wait3A_286, %dma_wait3A_287] : memref<832x512x64xf32, #tpu.memory_space<hbm>> -> memref<1x512x64xf32, #tpu.memory_space<hbm>>
      %dma_wait3A_289 = tpu.memref_squeeze %dma_wait3A_288 : memref<1x512x64xf32, #tpu.memory_space<hbm>> -> memref<512x64xf32, #tpu.memory_space<hbm>>
      %dma_wait3A_290 = arith.constant 0 : i32
      %dma_wait3A_291 = arith.constant 0 : i32
      %dma_wait3A_292 = tpu.memref_slice %arg4[%dma_wait3A_281, %dma_wait3A_290, %dma_wait3A_291] : memref<832x512x64xf32, #tpu.memory_space<hbm>> -> memref<1x512x64xf32, #tpu.memory_space<hbm>>
      %dma_wait3A_293 = tpu.memref_squeeze %dma_wait3A_292 : memref<1x512x64xf32, #tpu.memory_space<hbm>> -> memref<512x64xf32, #tpu.memory_space<hbm>>
      %dma_wait3A_294 = arith.constant 0 : i32
      %dma_wait3A_295 = arith.constant 0 : i32
      %dma_wait3A_296 = tpu.memref_slice %arg6[%dma_wait3A_280, %dma_wait3A_294, %dma_wait3A_295] : memref<2x512x64xf32, #tpu.memory_space<vmem>> -> memref<1x512x64xf32, #tpu.memory_space<vmem>>
      %dma_wait3A_297 = tpu.memref_squeeze %dma_wait3A_296 : memref<1x512x64xf32, #tpu.memory_space<vmem>> -> memref<512x64xf32, #tpu.memory_space<vmem>>
      tpu.wait_dma2 semaphore(%arg12 : memref<!tpu.dma_semaphore, #tpu.memory_space<semaphore_mem>>) src(%dma_wait3A_297 : memref<512x64xf32, #tpu.memory_space<vmem>>) dst(%dma_wait3A_293 : memref<512x64xf32, #tpu.memory_space<hbm>>)
      %dma_wait3A_298 = arith.constant 0 : i32
      %dma_wait3A_299 = arith.constant 1 : i32
      %dma_wait3A_300 = arith.constant 0 : i32
      %dma_wait3A_301 = tpu.memref_slice %arg5[%dma_wait3A_299, %dma_wait3A_300] : memref<2x512xi32, #tpu.memory_space<vmem>> -> memref<1x512xi32, #tpu.memory_space<vmem>>
      %dma_wait3A_302 = tpu.memref_squeeze %dma_wait3A_301 : memref<1x512xi32, #tpu.memory_space<vmem>> -> memref<512xi32, #tpu.memory_space<vmem>>
      %dma_wait3A_303 = arith.constant 0 : i32
      %dma_wait3A_304 = tpu.memref_slice %arg3[%dma_wait3A_298, %dma_wait3A_303] : memref<832x512xi32, #tpu.memory_space<hbm>> -> memref<1x512xi32, #tpu.memory_space<hbm>>
      %dma_wait3A_305 = tpu.memref_squeeze %dma_wait3A_304 : memref<1x512xi32, #tpu.memory_space<hbm>> -> memref<512xi32, #tpu.memory_space<hbm>>
      %dma_wait3A_306 = arith.constant 0 : i32
      %dma_wait3A_307 = tpu.memref_slice %arg5[%dma_wait3A_299, %dma_wait3A_306] : memref<2x512xi32, #tpu.memory_space<vmem>> -> memref<1x512xi32, #tpu.memory_space<vmem>>
      %dma_wait3A_308 = tpu.memref_squeeze %dma_wait3A_307 : memref<1x512xi32, #tpu.memory_space<vmem>> -> memref<512xi32, #tpu.memory_space<vmem>>
      %dma_wait3A_309 = arith.constant 0 : i32
      %dma_wait3A_310 = tpu.memref_slice %arg3[%dma_wait3A_298, %dma_wait3A_309] : memref<832x512xi32, #tpu.memory_space<hbm>> -> memref<1x512xi32, #tpu.memory_space<hbm>>
      %dma_wait3A_311 = tpu.memref_squeeze %dma_wait3A_310 : memref<1x512xi32, #tpu.memory_space<hbm>> -> memref<512xi32, #tpu.memory_space<hbm>>
      tpu.wait_dma2 semaphore(%arg8 : memref<!tpu.dma_semaphore, #tpu.memory_space<semaphore_mem>>) src(%dma_wait3A_311 : memref<512xi32, #tpu.memory_space<hbm>>) dst(%dma_wait3A_308 : memref<512xi32, #tpu.memory_space<vmem>>)
      %scan3A_312 = arith.constant 0 : i32
      %scan3A_313 = arith.constant 0 : i32
      %scan3A_314 = arith.constant 32 : i32
      %scan3A_315 = arith.addi %scan3A_313, %scan3A_314 : i32
      %scan3A_316 = arith.constant 1 : i32
      scf.for %scan3A_374 = %scan3A_313 to %scan3A_315 step %scan3A_316  : i32 {
        %dma_wait3A_375 = arith.constant 0 : i32
        %dma_wait3A_376 = arith.constant 0 : i32
        %dma_wait3A_377 = arith.constant 0 : i32
        %dma_wait3A_378 = tpu.memref_slice %arg6[%dma_wait3A_375, %dma_wait3A_376, %dma_wait3A_377] : memref<2x512x64xf32, #tpu.memory_space<vmem>> -> memref<1x16x64xf32, #tpu.memory_space<vmem>>
        %dma_wait3A_379 = tpu.memref_squeeze %dma_wait3A_378 : memref<1x16x64xf32, #tpu.memory_space<vmem>> -> memref<16x64xf32, #tpu.memory_space<vmem>>
        %dma_wait3A_380 = arith.constant 0 : i32
        %dma_wait3A_381 = arith.constant 0 : i32
        %dma_wait3A_382 = tpu.memref_slice %arg2[%dma_wait3A_380, %dma_wait3A_381] : memref<2600000x64xf32, #tpu.memory_space<hbm>> -> memref<16x64xf32, #tpu.memory_space<hbm>>
        %dma_wait3A_383 = arith.constant 0 : i32
        %dma_wait3A_384 = arith.constant 0 : i32
        %dma_wait3A_385 = tpu.memref_slice %arg6[%dma_wait3A_375, %dma_wait3A_383, %dma_wait3A_384] : memref<2x512x64xf32, #tpu.memory_space<vmem>> -> memref<1x16x64xf32, #tpu.memory_space<vmem>>
        %dma_wait3A_386 = tpu.memref_squeeze %dma_wait3A_385 : memref<1x16x64xf32, #tpu.memory_space<vmem>> -> memref<16x64xf32, #tpu.memory_space<vmem>>
        %dma_wait3A_387 = arith.constant 0 : i32
        %dma_wait3A_388 = arith.constant 0 : i32
        %dma_wait3A_389 = tpu.memref_slice %arg2[%dma_wait3A_387, %dma_wait3A_388] : memref<2600000x64xf32, #tpu.memory_space<hbm>> -> memref<16x64xf32, #tpu.memory_space<hbm>>
        tpu.wait_dma2 semaphore(%arg9 : memref<!tpu.dma_semaphore, #tpu.memory_space<semaphore_mem>>) src(%dma_wait3A_389 : memref<16x64xf32, #tpu.memory_space<hbm>>) dst(%dma_wait3A_386 : memref<16x64xf32, #tpu.memory_space<vmem>>)
      }
      %scan3A_317 = arith.constant 32 : i32
      %scan3A_318 = arith.constant 0 : i32
      %scan3A_319 = arith.constant 0 : i32
      %scan3A_320 = arith.constant 32 : i32
      %scan3A_321 = arith.addi %scan3A_319, %scan3A_320 : i32
      %scan3A_322 = arith.constant 1 : i32
      scf.for %scan3A_374 = %scan3A_319 to %scan3A_321 step %scan3A_322  : i32 {
        %mul3A_375 = arith.constant 16 : i32
        %mul3A_376 = arith.muli %scan3A_374, %mul3A_375 : i32
        %get3A = arith.constant 1 : i32
        %get3A_377 = arith.index_cast %get3A : i32 to index
        %get3A_378 = arith.index_cast %mul3A_376 : i32 to index
        %get3A_379 = tpu.vector_load %arg5[%get3A_377, %get3A_378] {strides = array<i32>} : memref<2x512xi32, #tpu.memory_space<vmem>>, vector<1x16xi32>,
        %get3A_380 = vector.shape_cast %get3A_379 : vector<1x16xi32> to vector<16xi32>
        %mul3A_381 = arith.constant 16 : i32
        %mul3A_382 = arith.muli %scan3A_374, %mul3A_381 : i32
        %dma_start3A_383 = arith.constant 1 : i32
        %dma_start3A_384 = arith.constant 0 : i32
        %dma_start3A_385 = tpu.memref_slice %arg6[%dma_start3A_383, %mul3A_382, %dma_start3A_384] : memref<2x512x64xf32, #tpu.memory_space<vmem>> -> memref<1x16x64xf32, #tpu.memory_space<vmem>>
        %dma_start3A_386 = tpu.memref_squeeze %dma_start3A_385 : memref<1x16x64xf32, #tpu.memory_space<vmem>> -> memref<16x64xf32, #tpu.memory_space<vmem>>
        %dma_start3A_387 = arith.constant 0 : i32
        %dma_start3A_388 = arith.constant 0 : i32
        %dma_start3A_389 = tpu.memref_slice %arg2[%dma_start3A_387, %dma_start3A_388] : memref<2600000x64xf32, #tpu.memory_space<hbm>> -> memref<2600000x64xf32, #tpu.memory_space<hbm>>
        tpu.enqueue_indirect_dma source(%dma_start3A_389 : memref<2600000x64xf32, #tpu.memory_space<hbm>>) target(%dma_start3A_386 : memref<16x64xf32, #tpu.memory_space<vmem>>) offsets(%get3A_380 : vector<16xi32>) semaphore(%arg10 : memref<!tpu.dma_semaphore, #tpu.memory_space<semaphore_mem>>)
      }
      %scan3A_323 = arith.constant 32 : i32
      %add3A_324 = arith.addi %mul3A_2, %mul3A_190 : i32
      %dma_start3A_325 = arith.constant 0 : i32
      %dma_start3A_326 = arith.constant 0 : i32
      %dma_start3A_327 = arith.constant 0 : i32
      %dma_start3A_328 = tpu.memref_slice %arg6[%dma_start3A_325, %dma_start3A_326, %dma_start3A_327] : memref<2x512x64xf32, #tpu.memory_space<vmem>> -> memref<1x512x64xf32, #tpu.memory_space<vmem>>
      %dma_start3A_329 = tpu.memref_squeeze %dma_start3A_328 : memref<1x512x64xf32, #tpu.memory_space<vmem>> -> memref<512x64xf32, #tpu.memory_space<vmem>>
      %dma_start3A_330 = arith.constant 0 : i32
      %dma_start3A_331 = arith.constant 0 : i32
      %dma_start3A_332 = tpu.memref_slice %arg4[%add3A_324, %dma_start3A_330, %dma_start3A_331] : memref<832x512x64xf32, #tpu.memory_space<hbm>> -> memref<1x512x64xf32, #tpu.memory_space<hbm>>
      %dma_start3A_333 = tpu.memref_squeeze %dma_start3A_332 : memref<1x512x64xf32, #tpu.memory_space<hbm>> -> memref<512x64xf32, #tpu.memory_space<hbm>>
      %dma_start3A_334 = arith.constant 0 : i32
      %dma_start3A_335 = arith.constant 0 : i32
      %dma_start3A_336 = tpu.memref_slice %arg4[%add3A_324, %dma_start3A_334, %dma_start3A_335] : memref<832x512x64xf32, #tpu.memory_space<hbm>> -> memref<1x512x64xf32, #tpu.memory_space<hbm>>
      %dma_start3A_337 = tpu.memref_squeeze %dma_start3A_336 : memref<1x512x64xf32, #tpu.memory_space<hbm>> -> memref<512x64xf32, #tpu.memory_space<hbm>>
      %dma_start3A_338 = arith.constant 0 : i32
      %dma_start3A_339 = arith.constant 0 : i32
      %dma_start3A_340 = tpu.memref_slice %arg6[%dma_start3A_325, %dma_start3A_338, %dma_start3A_339] : memref<2x512x64xf32, #tpu.memory_space<vmem>> -> memref<1x512x64xf32, #tpu.memory_space<vmem>>
      %dma_start3A_341 = tpu.memref_squeeze %dma_start3A_340 : memref<1x512x64xf32, #tpu.memory_space<vmem>> -> memref<512x64xf32, #tpu.memory_space<vmem>>
      tpu.enqueue_dma source(%dma_start3A_341 : memref<512x64xf32, #tpu.memory_space<vmem>>) target(%dma_start3A_337 : memref<512x64xf32, #tpu.memory_space<hbm>>) target_semaphore(%arg11 : memref<!tpu.dma_semaphore, #tpu.memory_space<semaphore_mem>>)
      %add3A_342 = arith.constant 2 : i32
      %add3A_343 = arith.addi %mul3A_190, %add3A_342 : i32
      %jit3A_344 = arith.constant 26 : i32
      %eq3A_345 = arith.constant 0 : i32
      %eq3A_346 = arith.cmpi eq, %jit3A_344, %eq3A_345 : i32
      %jit3A_347 = arith.constant 1 : i32
      %select_n3A_348 = arith.select %eq3A_346, %jit3A_347, %jit3A_344 : i32
      %rem3A_349 = arith.remsi %add3A_343, %select_n3A_348 : i32
      %ne3A_350 = arith.constant 0 : i32
      %ne3A_351 = arith.cmpi ne, %rem3A_349, %ne3A_350 : i32
      %lt3A_352 = arith.constant 0 : i32
      %lt3A_353 = arith.cmpi slt, %rem3A_349, %lt3A_352 : i32
      %lt3A_354 = arith.constant 0 : i32
      %lt3A_355 = arith.cmpi slt, %select_n3A_348, %lt3A_354 : i32
      %ne3A_356 = arith.xori %lt3A_353, %lt3A_355 : i1
      %and3A_357 = arith.andi %ne3A_356, %ne3A_351 : i1
      %add3A_358 = arith.addi %rem3A_349, %select_n3A_348 : i32
      %select_n3A_359 = arith.select %and3A_357, %add3A_358, %rem3A_349 : i32
      %add3A_360 = arith.addi %mul3A_2, %select_n3A_359 : i32
      %dma_start3A_361 = arith.constant 0 : i32
      %dma_start3A_362 = arith.constant 0 : i32
      %dma_start3A_363 = tpu.memref_slice %arg5[%dma_start3A_361, %dma_start3A_362] : memref<2x512xi32, #tpu.memory_space<vmem>> -> memref<1x512xi32, #tpu.memory_space<vmem>>
      %dma_start3A_364 = tpu.memref_squeeze %dma_start3A_363 : memref<1x512xi32, #tpu.memory_space<vmem>> -> memref<512xi32, #tpu.memory_space<vmem>>
      %dma_start3A_365 = arith.constant 0 : i32
      %dma_start3A_366 = tpu.memref_slice %arg3[%add3A_360, %dma_start3A_365] : memref<832x512xi32, #tpu.memory_space<hbm>> -> memref<1x512xi32, #tpu.memory_space<hbm>>
      %dma_start3A_367 = tpu.memref_squeeze %dma_start3A_366 : memref<1x512xi32, #tpu.memory_space<hbm>> -> memref<512xi32, #tpu.memory_space<hbm>>
      %dma_start3A_368 = arith.constant 0 : i32
      %dma_start3A_369 = tpu.memref_slice %arg5[%dma_start3A_361, %dma_start3A_368] : memref<2x512xi32, #tpu.memory_space<vmem>> -> memref<1x512xi32, #tpu.memory_space<vmem>>
      %dma_start3A_370 = tpu.memref_squeeze %dma_start3A_369 : memref<1x512xi32, #tpu.memory_space<vmem>> -> memref<512xi32, #tpu.memory_space<vmem>>
      %dma_start3A_371 = arith.constant 0 : i32
      %dma_start3A_372 = tpu.memref_slice %arg3[%add3A_360, %dma_start3A_371] : memref<832x512xi32, #tpu.memory_space<hbm>> -> memref<1x512xi32, #tpu.memory_space<hbm>>
      %dma_start3A_373 = tpu.memref_squeeze %dma_start3A_372 : memref<1x512xi32, #tpu.memory_space<hbm>> -> memref<512xi32, #tpu.memory_space<hbm>>
      tpu.enqueue_dma source(%dma_start3A_373 : memref<512xi32, #tpu.memory_space<hbm>>) target(%dma_start3A_370 : memref<512xi32, #tpu.memory_space<vmem>>) target_semaphore(%arg7 : memref<!tpu.dma_semaphore, #tpu.memory_space<semaphore_mem>>)
    }
    %scan3A_111 = arith.constant 12 : i32
    %scan3A_112 = arith.constant 0 : i32
    %scan3A_113 = arith.constant 0 : i32
    %scan3A_114 = arith.constant 32 : i32
    %scan3A_115 = arith.addi %scan3A_113, %scan3A_114 : i32
    %scan3A_116 = arith.constant 1 : i32
    scf.for %scan3A_188 = %scan3A_113 to %scan3A_115 step %scan3A_116  : i32 {
      %dma_wait3A_189 = arith.constant 1 : i32
      %dma_wait3A_190 = arith.constant 0 : i32
      %dma_wait3A_191 = arith.constant 0 : i32
      %dma_wait3A_192 = tpu.memref_slice %arg6[%dma_wait3A_189, %dma_wait3A_190, %dma_wait3A_191] : memref<2x512x64xf32, #tpu.memory_space<vmem>> -> memref<1x16x64xf32, #tpu.memory_space<vmem>>
      %dma_wait3A_193 = tpu.memref_squeeze %dma_wait3A_192 : memref<1x16x64xf32, #tpu.memory_space<vmem>> -> memref<16x64xf32, #tpu.memory_space<vmem>>
      %dma_wait3A_194 = arith.constant 0 : i32
      %dma_wait3A_195 = arith.constant 0 : i32
      %dma_wait3A_196 = tpu.memref_slice %arg2[%dma_wait3A_194, %dma_wait3A_195] : memref<2600000x64xf32, #tpu.memory_space<hbm>> -> memref<16x64xf32, #tpu.memory_space<hbm>>
      %dma_wait3A_197 = arith.constant 0 : i32
      %dma_wait3A_198 = arith.constant 0 : i32
      %dma_wait3A_199 = tpu.memref_slice %arg6[%dma_wait3A_189, %dma_wait3A_197, %dma_wait3A_198] : memref<2x512x64xf32, #tpu.memory_space<vmem>> -> memref<1x16x64xf32, #tpu.memory_space<vmem>>
      %dma_wait3A_200 = tpu.memref_squeeze %dma_wait3A_199 : memref<1x16x64xf32, #tpu.memory_space<vmem>> -> memref<16x64xf32, #tpu.memory_space<vmem>>
      %dma_wait3A_201 = arith.constant 0 : i32
      %dma_wait3A_202 = arith.constant 0 : i32
      %dma_wait3A_203 = tpu.memref_slice %arg2[%dma_wait3A_201, %dma_wait3A_202] : memref<2600000x64xf32, #tpu.memory_space<hbm>> -> memref<16x64xf32, #tpu.memory_space<hbm>>
      tpu.wait_dma2 semaphore(%arg10 : memref<!tpu.dma_semaphore, #tpu.memory_space<semaphore_mem>>) src(%dma_wait3A_203 : memref<16x64xf32, #tpu.memory_space<hbm>>) dst(%dma_wait3A_200 : memref<16x64xf32, #tpu.memory_space<vmem>>)
    }
    %scan3A_117 = arith.constant 32 : i32
    %add3A_118 = arith.constant 26 : i32
    %add3A_119 = arith.addi %mul3A_2, %add3A_118 : i32
    %sub3A = arith.constant 1 : i32
    %sub3A_120 = arith.subi %add3A_119, %sub3A : i32
    %dma_start3A_121 = arith.constant 1 : i32
    %dma_start3A_122 = arith.constant 0 : i32
    %dma_start3A_123 = arith.constant 0 : i32
    %dma_start3A_124 = tpu.memref_slice %arg6[%dma_start3A_121, %dma_start3A_122, %dma_start3A_123] : memref<2x512x64xf32, #tpu.memory_space<vmem>> -> memref<1x512x64xf32, #tpu.memory_space<vmem>>
    %dma_start3A_125 = tpu.memref_squeeze %dma_start3A_124 : memref<1x512x64xf32, #tpu.memory_space<vmem>> -> memref<512x64xf32, #tpu.memory_space<vmem>>
    %dma_start3A_126 = arith.constant 0 : i32
    %dma_start3A_127 = arith.constant 0 : i32
    %dma_start3A_128 = tpu.memref_slice %arg4[%sub3A_120, %dma_start3A_126, %dma_start3A_127] : memref<832x512x64xf32, #tpu.memory_space<hbm>> -> memref<1x512x64xf32, #tpu.memory_space<hbm>>
    %dma_start3A_129 = tpu.memref_squeeze %dma_start3A_128 : memref<1x512x64xf32, #tpu.memory_space<hbm>> -> memref<512x64xf32, #tpu.memory_space<hbm>>
    %dma_start3A_130 = arith.constant 0 : i32
    %dma_start3A_131 = arith.constant 0 : i32
    %dma_start3A_132 = tpu.memref_slice %arg4[%sub3A_120, %dma_start3A_130, %dma_start3A_131] : memref<832x512x64xf32, #tpu.memory_space<hbm>> -> memref<1x512x64xf32, #tpu.memory_space<hbm>>
    %dma_start3A_133 = tpu.memref_squeeze %dma_start3A_132 : memref<1x512x64xf32, #tpu.memory_space<hbm>> -> memref<512x64xf32, #tpu.memory_space<hbm>>
    %dma_start3A_134 = arith.constant 0 : i32
    %dma_start3A_135 = arith.constant 0 : i32
    %dma_start3A_136 = tpu.memref_slice %arg6[%dma_start3A_121, %dma_start3A_134, %dma_start3A_135] : memref<2x512x64xf32, #tpu.memory_space<vmem>> -> memref<1x512x64xf32, #tpu.memory_space<vmem>>
    %dma_start3A_137 = tpu.memref_squeeze %dma_start3A_136 : memref<1x512x64xf32, #tpu.memory_space<vmem>> -> memref<512x64xf32, #tpu.memory_space<vmem>>
    tpu.enqueue_dma source(%dma_start3A_137 : memref<512x64xf32, #tpu.memory_space<vmem>>) target(%dma_start3A_133 : memref<512x64xf32, #tpu.memory_space<hbm>>) target_semaphore(%arg12 : memref<!tpu.dma_semaphore, #tpu.memory_space<semaphore_mem>>)
    %dma_wait3A_138 = arith.constant 0 : i32
    %dma_wait3A_139 = arith.constant 0 : i32
    %dma_wait3A_140 = arith.constant 0 : i32
    %dma_wait3A_141 = arith.constant 0 : i32
    %dma_wait3A_142 = tpu.memref_slice %arg6[%dma_wait3A_138, %dma_wait3A_140, %dma_wait3A_141] : memref<2x512x64xf32, #tpu.memory_space<vmem>> -> memref<1x512x64xf32, #tpu.memory_space<vmem>>
    %dma_wait3A_143 = tpu.memref_squeeze %dma_wait3A_142 : memref<1x512x64xf32, #tpu.memory_space<vmem>> -> memref<512x64xf32, #tpu.memory_space<vmem>>
    %dma_wait3A_144 = arith.constant 0 : i32
    %dma_wait3A_145 = arith.constant 0 : i32
    %dma_wait3A_146 = tpu.memref_slice %arg4[%dma_wait3A_139, %dma_wait3A_144, %dma_wait3A_145] : memref<832x512x64xf32, #tpu.memory_space<hbm>> -> memref<1x512x64xf32, #tpu.memory_space<hbm>>
    %dma_wait3A_147 = tpu.memref_squeeze %dma_wait3A_146 : memref<1x512x64xf32, #tpu.memory_space<hbm>> -> memref<512x64xf32, #tpu.memory_space<hbm>>
    %dma_wait3A_148 = arith.constant 0 : i32
    %dma_wait3A_149 = arith.constant 0 : i32
    %dma_wait3A_150 = tpu.memref_slice %arg4[%dma_wait3A_139, %dma_wait3A_148, %dma_wait3A_149] : memref<832x512x64xf32, #tpu.memory_space<hbm>> -> memref<1x512x64xf32, #tpu.memory_space<hbm>>
    %dma_wait3A_151 = tpu.memref_squeeze %dma_wait3A_150 : memref<1x512x64xf32, #tpu.memory_space<hbm>> -> memref<512x64xf32, #tpu.memory_space<hbm>>
    %dma_wait3A_152 = arith.constant 0 : i32
    %dma_wait3A_153 = arith.constant 0 : i32
    %dma_wait3A_154 = tpu.memref_slice %arg6[%dma_wait3A_138, %dma_wait3A_152, %dma_wait3A_153] : memref<2x512x64xf32, #tpu.memory_space<vmem>> -> memref<1x512x64xf32, #tpu.memory_space<vmem>>
    %dma_wait3A_155 = tpu.memref_squeeze %dma_wait3A_154 : memref<1x512x64xf32, #tpu.memory_space<vmem>> -> memref<512x64xf32, #tpu.memory_space<vmem>>
    tpu.wait_dma2 semaphore(%arg11 : memref<!tpu.dma_semaphore, #tpu.memory_space<semaphore_mem>>) src(%dma_wait3A_155 : memref<512x64xf32, #tpu.memory_space<vmem>>) dst(%dma_wait3A_151 : memref<512x64xf32, #tpu.memory_space<hbm>>)
    %dma_wait3A_156 = arith.constant 1 : i32
    %dma_wait3A_157 = arith.constant 0 : i32
    %dma_wait3A_158 = arith.constant 0 : i32
    %dma_wait3A_159 = arith.constant 0 : i32
    %dma_wait3A_160 = tpu.memref_slice %arg6[%dma_wait3A_156, %dma_wait3A_158, %dma_wait3A_159] : memref<2x512x64xf32, #tpu.memory_space<vmem>> -> memref<1x512x64xf32, #tpu.memory_space<vmem>>
    %dma_wait3A_161 = tpu.memref_squeeze %dma_wait3A_160 : memref<1x512x64xf32, #tpu.memory_space<vmem>> -> memref<512x64xf32, #tpu.memory_space<vmem>>
    %dma_wait3A_162 = arith.constant 0 : i32
    %dma_wait3A_163 = arith.constant 0 : i32
    %dma_wait3A_164 = tpu.memref_slice %arg4[%dma_wait3A_157, %dma_wait3A_162, %dma_wait3A_163] : memref<832x512x64xf32, #tpu.memory_space<hbm>> -> memref<1x512x64xf32, #tpu.memory_space<hbm>>
    %dma_wait3A_165 = tpu.memref_squeeze %dma_wait3A_164 : memref<1x512x64xf32, #tpu.memory_space<hbm>> -> memref<512x64xf32, #tpu.memory_space<hbm>>
    %dma_wait3A_166 = arith.constant 0 : i32
    %dma_wait3A_167 = arith.constant 0 : i32
    %dma_wait3A_168 = tpu.memref_slice %arg4[%dma_wait3A_157, %dma_wait3A_166, %dma_wait3A_167] : memref<832x512x64xf32, #tpu.memory_space<hbm>> -> memref<1x512x64xf32, #tpu.memory_space<hbm>>
    %dma_wait3A_169 = tpu.memref_squeeze %dma_wait3A_168 : memref<1x512x64xf32, #tpu.memory_space<hbm>> -> memref<512x64xf32, #tpu.memory_space<hbm>>
    %dma_wait3A_170 = arith.constant 0 : i32
    %dma_wait3A_171 = arith.constant 0 : i32
    %dma_wait3A_172 = tpu.memref_slice %arg6[%dma_wait3A_156, %dma_wait3A_170, %dma_wait3A_171] : memref<2x512x64xf32, #tpu.memory_space<vmem>> -> memref<1x512x64xf32, #tpu.memory_space<vmem>>
    %dma_wait3A_173 = tpu.memref_squeeze %dma_wait3A_172 : memref<1x512x64xf32, #tpu.memory_space<vmem>> -> memref<512x64xf32, #tpu.memory_space<vmem>>
    tpu.wait_dma2 semaphore(%arg12 : memref<!tpu.dma_semaphore, #tpu.memory_space<semaphore_mem>>) src(%dma_wait3A_173 : memref<512x64xf32, #tpu.memory_space<vmem>>) dst(%dma_wait3A_169 : memref<512x64xf32, #tpu.memory_space<hbm>>)
    %dma_wait3A_174 = arith.constant 0 : i32
    %dma_wait3A_175 = arith.constant 0 : i32
    %dma_wait3A_176 = arith.constant 0 : i32
    %dma_wait3A_177 = tpu.memref_slice %arg5[%dma_wait3A_175, %dma_wait3A_176] : memref<2x512xi32, #tpu.memory_space<vmem>> -> memref<1x512xi32, #tpu.memory_space<vmem>>
    %dma_wait3A_178 = tpu.memref_squeeze %dma_wait3A_177 : memref<1x512xi32, #tpu.memory_space<vmem>> -> memref<512xi32, #tpu.memory_space<vmem>>
    %dma_wait3A_179 = arith.constant 0 : i32
    %dma_wait3A_180 = tpu.memref_slice %arg3[%dma_wait3A_174, %dma_wait3A_179] : memref<832x512xi32, #tpu.memory_space<hbm>> -> memref<1x512xi32, #tpu.memory_space<hbm>>
    %dma_wait3A_181 = tpu.memref_squeeze %dma_wait3A_180 : memref<1x512xi32, #tpu.memory_space<hbm>> -> memref<512xi32, #tpu.memory_space<hbm>>
    %dma_wait3A_182 = arith.constant 0 : i32
    %dma_wait3A_183 = tpu.memref_slice %arg5[%dma_wait3A_175, %dma_wait3A_182] : memref<2x512xi32, #tpu.memory_space<vmem>> -> memref<1x512xi32, #tpu.memory_space<vmem>>
    %dma_wait3A_184 = tpu.memref_squeeze %dma_wait3A_183 : memref<1x512xi32, #tpu.memory_space<vmem>> -> memref<512xi32, #tpu.memory_space<vmem>>
    %dma_wait3A_185 = arith.constant 0 : i32
    %dma_wait3A_186 = tpu.memref_slice %arg3[%dma_wait3A_174, %dma_wait3A_185] : memref<832x512xi32, #tpu.memory_space<hbm>> -> memref<1x512xi32, #tpu.memory_space<hbm>>
    %dma_wait3A_187 = tpu.memref_squeeze %dma_wait3A_186 : memref<1x512xi32, #tpu.memory_space<hbm>> -> memref<512xi32, #tpu.memory_space<hbm>>
    tpu.wait_dma2 semaphore(%arg7 : memref<!tpu.dma_semaphore, #tpu.memory_space<semaphore_mem>>) src(%dma_wait3A_187 : memref<512xi32, #tpu.memory_space<hbm>>) dst(%dma_wait3A_184 : memref<512xi32, #tpu.memory_space<vmem>>)
    return
  }
}

</mosaic_0001>

<sc_bundles>
// kernel: kernel.3.cloned.1.call-start
scs
__scs_entry_jumppad:
0x0: {  	(pc) =	sbr.rel $0x88, $3  }
0x1: {  	(tag) =	ssettag $0x0;
	lr =	simm.s32 $0x1  }
0x2: {  	[smem:$0x3F9F] =	sst lr;
	_ =	strace $0xD0000000  }
0x3: {  	_ = 	snop  }
0x4: {  	_ = 	snop  }
0x5: {  	_ = 	snop  }
0x6: {  	_ = 	snop  }
0x7: {  	_ = 	snop  }
__scs_overlays_trampoline_lowered:
0x8: {  	[smem:$0x3FAE] =	sst s0  }
0x9: {  	[smem:$0x3FAF] =	sst s1  }
0xa: {  	[smem:$0x3FB0] =	sst s2  }
0xb: {  	[smem:$0x3FB1] =	sst s3  }
0xc: {  	[smem:$0x3FB2] =	sst s4  }
0xd: {  	[smem:$0x3FB3] =	sst s5  }
0xe: {  	[smem:$0x3FB4] =	sst s6  }
0xf: {  	[smem:$0x3FB5] =	sst s7  }
0x10: {  	[smem:$0x3FB6] =	sst s8  }
0x11: {  	[smem:$0x3FB7] =	sst s9;
	s0 =	simm.s32 @!p0 $0x0  }
0x12: {  	s1 =	sld [smem:$0x3F9D];
	s0 =	simm.s32 @p0 $0x1  }
0x13: {  	[smem:$0x3FB8] =	sst s0;
	s0 =	simm.s32 @!p1 $0x0  }
0x14: {  	s2 =	sld [smem:$0x3F9C];
	s0 =	simm.s32 @p1 $0x1  }
0x15: {  	[smem:$0x3FB9] =	sst s0;
	s0 =	simm.s32 @!p2 $0x0  }
0x16: {  	s3 =	sld [smem:$0x3FDB];
	s0 =	simm.s32 @p2 $0x1  }
0x17: {  	s4 =	simm.s32 $0x1BF5;
	[smem:$0x3FBB] =	sst s0  }
0x18: {  	s0 =	sld [smem:$0x3F9E];
	_ =	swait.ge [sflag:s4], $0x0  }
0x19: {  	s7 =	sld [smem:$0x3F9F]  }
0x1a: {  	s8 =	sadd.s32 $0xFFFFE003, lr  }
0x1b: {  	s9 =	sadd.s32 $0xFFFFFEF7, lr;
	s5 =	simm.s32 $0xFFFFFFFF;
	p2 =	slt.u32 s8, $0xFFFFF086  }
0x1c: {  	p1 =	slt.u32 s9, $0xF7A;
	s5 =	simm.s32 @!p2 $0x0  }
0x1d: {  	s5 =	simm.s32 @p1 $0x1;
	p0 =	seq.s32 s7, s2  }
0x1e: {  	s7 =	smul.u32 @!p0 $0xF7A, s2;
	p2 =	seq.s32 @!p0 s5, $0x0  }
0x1f: {  	s9 =	smul.u32 $0xF7A, s1;
	s8 =	simm.s32 @!p0 $0x1BF5;
	p2 =	por !p2, p0  }
0x20: {  	[sflag:s8] =	ssyncset.s32 @!p0 $0xFFFFF086;
	s6 =	sadd.s32 @!p0 s3, s7;
	s7 =	simm.s32 @!p0 $0x108  }
0x21: {  	s3 =	sadd.s32 s3, s9;
	s6 =	sadd.s32 @!p0 $0x88, s6;
	s7 =	simm.s32 @p2 $0x1082  }
0x22: {  	[simem:s7], [sflag:s8] =	dma.local @!p0 [hbm:s6], $0xF7A  }
0x23: {  	s9 =	sor.u32 $0xD0000000, s2;
	s6 =	simm.s32 $0x108;
	_ =	swait.ge @!p0 [sflag:s8], $0x0  }
0x24: {  	s3 =	sadd.s32 $0x88, s3;
	s6 =	simm.s32 @!p1 $0x1082;
	[sflag:s4] =	ssyncset.s32 $0xFFFFF086  }
0x25: {  	[simem:s6], [sflag:s4] =	dma.local [hbm:s3], $0xF7A  }
0x26: {  	[smem:$0x3F9F] =	sst s1;
	(tag) =	ssettag s2;
	_ =	strace s9  }
0x27: {  	s1 =	sld [smem:$0x3FAF]  }
0x28: {  	s2 =	sld [smem:$0x3FB0]  }
0x29: {  	s4 =	sld [smem:$0x3FB2]  }
0x2a: {  	p0 =	seq.s32 s5, $0x0;
	s5 =	sld [smem:$0x3FB3]  }
0x2b: {  	s6 =	sld [smem:$0x3FB4]  }
0x2c: {  	s7 =	sld [smem:$0x3FB5]  }
0x2d: {  	s3 =	simm.s32 $0x108;
	s8 =	sld [smem:$0x3FB6]  }
0x2e: {  	s3 =	simm.s32 @!p0 $0x1082;
	s9 =	sld [smem:$0x3FB7]  }
0x2f: {  	lr =	sadd.s32 s0, s3;
	s0 =	sld [smem:$0x3FAE]  }
0x30: {  	s3 =	sld [smem:$0x3FB1]  }
0x31: {  	[smem:$0x3FBA] =	sst s10  }
0x32: {  	s10 =	sld [smem:$0x3FB8];
	_ =	sdelay $0x3  }
0x33: {  	p0 =	seq.s32 s10, $0x1;
	s10 =	sld [smem:$0x3FBA];
	_ =	sdelay $0x3  }
0x34: {  	[smem:$0x3FBA] =	sst s10  }
0x35: {  	s10 =	sld [smem:$0x3FB9];
	_ =	sdelay $0x3  }
0x36: {  	p1 =	seq.s32 s10, $0x1;
	s10 =	sld [smem:$0x3FBA];
	_ =	sdelay $0x3  }
0x37: {  	[smem:$0x3FBA] =	sst s10  }
0x38: {  	s10 =	sld [smem:$0x3FBB]  }
0x39: {  	_ = 	snop;
	(pc) =	sbr.ind lr, $3  }
0x3a: {  	_ = 	snop  }
0x3b: {  	_ = 	snop  }
0x3c: {  	p2 =	seq.s32 s10, $0x1;
	s10 =	sld [smem:$0x3FBA]  }
0x3d: {  	_ =	shalt  }
0x3e: {  	_ =	shalt  }
0x3f: {  	_ =	shalt  }
0x40: {  	_ =	shalt  }
0x41: {  	_ =	shalt  }
0x42: {  	_ =	shalt  }
0x43: {  	_ =	shalt  }
0x44: {  	_ =	shalt  }
0x45: {  	_ =	shalt  }
0x46: {  	_ =	shalt  }
0x47: {  	_ =	shalt  }
0x48: {  	_ =	shalt  }
0x49: {  	_ =	shalt  }
0x4a: {  	_ =	shalt  }
0x4b: {  	_ =	shalt  }
0x4c: {  	_ =	shalt  }
0x4d: {  	_ =	shalt  }
0x4e: {  	_ =	shalt  }
0x4f: {  	_ =	shalt  }
0x50: {  	_ =	shalt  }
0x51: {  	_ =	shalt  }
0x52: {  	_ =	shalt  }
0x53: {  	_ =	shalt  }
0x54: {  	_ =	shalt  }
0x55: {  	_ =	shalt  }
0x56: {  	_ =	shalt  }
0x57: {  	_ =	shalt  }
0x58: {  	_ =	shalt  }
0x59: {  	_ =	shalt  }
0x5a: {  	_ =	shalt  }
0x5b: {  	_ =	shalt  }
0x5c: {  	_ =	shalt  }
0x5d: {  	_ =	shalt  }
0x5e: {  	_ =	shalt  }
0x5f: {  	_ =	shalt  }
0x60: {  	_ =	shalt  }
0x61: {  	_ =	shalt  }
0x62: {  	_ =	shalt  }
0x63: {  	_ =	shalt  }
0x64: {  	_ =	shalt  }
0x65: {  	_ =	shalt  }
0x66: {  	_ =	shalt  }
0x67: {  	_ =	shalt  }
0x68: {  	_ =	shalt  }
0x69: {  	_ =	shalt  }
0x6a: {  	_ =	shalt  }
0x6b: {  	_ =	shalt  }
0x6c: {  	_ =	shalt  }
0x6d: {  	_ =	shalt  }
0x6e: {  	_ =	shalt  }
0x6f: {  	_ =	shalt  }
0x70: {  	_ =	shalt  }
0x71: {  	_ =	shalt  }
0x72: {  	_ =	shalt  }
0x73: {  	_ =	shalt  }
0x74: {  	_ =	shalt  }
0x75: {  	_ =	shalt  }
0x76: {  	_ =	shalt  }
0x77: {  	_ =	shalt  }
0x78: {  	_ =	shalt  }
0x79: {  	_ =	shalt  }
0x7a: {  	_ =	shalt  }
0x7b: {  	_ =	shalt  }
0x7c: {  	_ =	shalt  }
0x7d: {  	_ =	shalt  }
0x7e: {  	_ =	shalt  }
0x7f: {  	_ =	shalt  }
0x80: {  	_ =	shalt  }
0x81: {  	_ =	shalt  }
0x82: {  	_ =	shalt  }
0x83: {  	_ =	shalt  }
0x84: {  	_ =	shalt  }
0x85: {  	_ =	shalt  }
0x86: {  	_ =	shalt  }
0x87: {  	_ =	shalt  }
.Lfunc_end0:
.L_simem_size_0:
called_computation.1_lowered:
.L_overlay_start_0:
0x88: {  	s2 =	sld [smem:$0x3FD9]  }
0x89: {  	s3 =	sld [smem:$0x3FFE];
	_ =	sdelay $0x1  }
0x8a: {  	s1 =	srdreg.scid  }
0x8b: {  	s0 =	sand.u32 $0x1, s1  }
0x8c: {  	s17 =	sshll.u32 s0, $0xA;
	s2 =	sadd.s32 s3, s2  }
0x8d: {  	s2 =	sadd.s32 s2, s17  }
0x8e: {  	[smem:$0x3FC6] =	sst s2  }
0x8f: {  	_ = 	snop  }
0x90: {  	s2 =	sld [smem:$0x3FD0];
	(tm) =	ssettm $0x1  }
0x91: {  	s18 =	sld [smem:$0x3FFB];
	_ =	sdelay $0x3  }
0x92: {  	_ =	strace s18  }
0x93: {  	s3 =	sld [smem:$0x3FFC];
	_ =	sdelay $0x3  }
0x94: {  	_ =	strace s3  }
0x95: {  	s3 =	sld [smem:$0x3FFD];
	_ =	sdelay $0x3  }
0x96: {  	_ =	strace s3  }
0x97: {  	_ =	strace $0x8FFFFFFF  }
0x98: {  	s19 =	sld [smem:$0x3FDB];
	_ =	sdelay $0x1  }
0x99: {  	s4 =	simm.s32 $_scs_section_size  }
0x9a: {  	s5 =	simm.s32 $_size__tile_overlayer_lowered;
	s6 =	simm.s32 $_tile_overlayer_lowered  }
0x9b: {  	s22 =	simm.s32 $0x1BFF;
	s21 =	sshll.u32 s6, $0x1;
	s3 =	sadd.s32 s4, s19  }
0x9c: {  	s7 =	simm.s32 $0x0;
	s20 =	sshll.u32 s5, $0x1;
	s5 =	sadd.s32 s21, s3  }
0x9d: {  	[timem:s7], [sflag:s22] =	dma.local [hbm:s5], s20  }
0x9e: {  	_ =	swait.ge [sflag:s22], s20  }
0x9f: {  	s4 =	ssub.s32 $0x0, s20;
	[sflag:s22] =	ssyncset.done $0x0  }
0xa0: {  	[sflag:s22] =	ssyncadd.s32 s4;
	_ =	sdelay $0x1  }
0xa1: {  	s23 =	simm.s32 $0x1B8B  }
0xa2: {  	_ =	swait.ge [sflag:s23], $0x1  }
0xa3: {  	[sflag:s23] =	ssyncset.done $0x0  }
0xa4: {  	s25 =	simm.s32 $0x1B8E;
	s24 =	sld [smem:$0x3FFE];
	[sflag:s23] =	ssyncadd.s32 $0xFFFFFFFF  }
0xa5: {  	s26 =	simm.s32 $execute0_lowered;
	[smem:$0x3FD2] =	sst s25  }
0xa6: {  	s5 =	sshll.u32 s26, $0x1;
	_ =	strace $0x80000046;
	[dreg:$0x1] =	wrdreg $0xFFFFFFFF  }
0xa7: {  	s28 =	simm.s32 $_size_execute0_lowered;
	s3 =	sadd.s32 s3, s5;
	[dreg:$0x0] =	wrdreg $0x0  }
0xa8: {  	s5 =	sshll.u32 s28, $0x1;
	[dreg:$0x2] =	wrdreg s3  }
0xa9: {  	[dreg:$0x3] =	wrdreg s5  }
0xaa: {  	[dreg:$0x4] =	wrdreg $0xC0  }
0xab: {  	_ =	task [dreg:s7], $0x5FFFF  }
0xac: {  	[dreg:$0x1] =	wrdreg $0xFFFFFFFF  }
0xad: {  	[dreg:$0x0] =	wrdreg $0x60  }
0xae: {  	[dreg:$0x2] =	wrdreg s24  }
0xaf: {  	[dreg:$0x3] =	wrdreg s2  }
0xb0: {  	[dreg:$0x4] =	wrdreg $0x9  }
0xb1: {  	_ =	task.clear_ibuf [dreg:s7], $0x5FFFF;
	_ =	strace $0x90000046  }
0xb2: {  	s29 =	simm.s32 $0x9;
	_ =	strace $0x80000048  }
0xb3: {  	_ =	swait.ge [sflag:s29], $0x1  }
0xb4: {  	[sflag:s29] =	ssyncadd.s32 $0xFFFFFFFF  }
0xb5: {  	_ =	strace $0x90000048  }
0xb6: {  	_ =	sfence  }
0xb7: {  	s30 =	sld [smem:$0x0];
	_ =	sdelay $0x2  }
0xb8: {  	s31 =	sshll.u32 s1, $0xD;
	s1 =	sshrl.u32 s1, $0x2  }
0xb9: {  	s3 =	sand.u32 $0x4000, s31;
	s1 =	sadd.s32 s1, s30  }
0xba: {  	s0 =	sor.u32 s3, s0;
	s1 =	sshll.u32 s1, $0x11  }
0xbb: {  	s0 =	sor.u32 s1, s0  }
0xbc: {  	s0 =	sadd.s32 $0x8F2B, s0  }
0xbd: {  	[sflag:s0] =	ssyncadd.remote.s32 $0x1  }
0xbe: {  	_ =	sfence.sel $0xFFFF  }
0xbf: {  	[dreg:$0x0] =	wrdreg $0xFFFFFFFF;
	(pc) =	sbr.abs _section_cstart, $3  }
0xc0: {  	[dreg:$0x1] =	wrdreg $0xFFFFFFFF  }
0xc1: {  	_ =	task.clear_ibuf [dreg:s7], $0x2FFFF;
	_ =	strace $0x9FFFFFFF  }
0xc2: {  	(tm) =	ssettm $0x7FFFFFFF  }
0xc3: {  	_ =	shalt  }
tec
execute0_lowered:
.L_overlay_start_1:
0x0: {  	(tag) =	ssettag $0x1  }
0x1: {  	s6 =	rddreg [dreg:$0x0];
	s1 =	srdreg.scid  }
0x2: {  	s0 =	stileid.u32;
	s2 =	rddreg [dreg:$0x1];
	s3 =	simm.s32 $0x0  }
0x3: {  	s14 =	simm.s32 $0x200;
	s15 =	simm.s32 $0x2;
	s16 =	simm.s32 $0x3  }
0x4: {  	s17 =	simm.s32 $0x400;
	s5 =	sand.u32 $0x1, s1;
	s4 =	sshll.u32 s0, $0x1  }
0x5: {  	s18 =	simm.s32 $0x5;
	s19 =	simm.s32 $0x4;
	s8 =	sor.u32 s5, s4  }
0x6: {  	s20 =	simm.s32 $0x6;
	s21 =	simm.s32 $0x8400;
	s4 =	smul.u32 $0x1A, s8  }
0x7: {  	s22 =	simm.s32 $0x0;
	[smem:$0x7FF] =	sst s3;
	s9 =	smul.u32 $0x680, s8  }
0x8: {  	s1 =	rddreg [dreg:$0x2];
	_ =	strace $0x80000047;
	s11 =	smul.u32 $0x3400, s8  }
0x9: {  	s7 =	ssub.s32 $0x2, s5;
	s5 =	sadd.s32 $0x27AD000, s6;
	s29 =	smul.u32 $0xD0000, s8  }
0xa: {  	s6 =	sadd.s32 $0xC00, s6;
	s10 =	sshrl.u32 s7, $0x1;
	s30 =	smul.u32 $0x1A000, s8  }
0xb: {  	s12 =	ssub.s32 s7, s10;
	s7 =	sadd.s32 s6, s9;
	s11 =	sshrl.u32 s11, $0x3  }
0xc: {  	s13 =	sshrl.u32 s29, $0x3;
	s9 =	sadd.s32 s2, s30;
	s12 =	smax.u32 s12, $0x1  }
0xd: {  	s8 =	sadd.s32 $0x40, s7;
	s11 =	sadd.s32 s6, s11;
	s31 =	sadd.s32 s2, s13  }
0xe: {  	vm0 =	vmmov $0xffff;
	s13 =	simm.s32 $0x1;
	s10 =	sadd.s32 $0x80, s11;
	s11 =	sadd.s32 $0x19000, s31  }
.LBB2_1:
0xf: {  	[tilespmem:s3], [sflag:$0x1] =	stream.linear.gather [hbm4b:s7+s3], $0x200, $0x38;
	[tilespmem:$0x10400] =	vst v63  }
0x10: {  	_ =	swait.ge [sflag:s13], $0x200  }
0x11: {  	[sflag:s13] =	ssyncset.done $0x0  }
0x12: {  	s23 =	simm.s32 $0x0;
	[sflag:s13] =	ssyncadd.s32 $0xFFFFFE00  }
0x13: {  	v0 =	vld [tilespmem:s23+$0x0];
	_ =	sdelay $0x6  }
0x14: {  	s31 =	simm.s32 $0x10  }
0x15: {  	[tilespmem:s17], [sflag:$0x3] =	stream.indirect_vreg.gather [hbm4b:s5+s3], $0x40, v0, vm0, $0xb8;
	[tilespmem:$0x10400] =	vst v63  }
0x16: {  	s24 =	simm.s32 $0x80;
	s23 =	simm.s32 $0x400;
	v0 =	vld [tilespmem:s31+$0x0]  }
.LBB2_2:
0x17: {  	p0 =	sne.s32 s24, $0x7C0;
	_ =	sdelay $0x3  }
.Ltmp0:
0x18: {  	(pc) =	sbr.rel @p0 .LBB2_2-.Ltmp0, $4  }
0x19: {  	_ = 	snop  }
0x1a: {  	s25 =	sshra.s32 s24, $0x2;
	s23 =	sadd.s32 $0x400, s23  }
0x1b: {  	[tilespmem:s23], [sflag:$0x3] =	stream.indirect_vreg.gather [hbm4b:s5+s3], $0x40, v0, vm0, $0xb8;
	[tilespmem:$0x10400] =	vst v63  }
0x1c: {  	s24 =	sadd.s32 $0x40, s24;
	v0 =	vld [tilespmem:s25+$0x0]  }
0x1d: {  	_ =	sdelay $0x6  }
0x1e: {  	s23 =	sadd.s32 $0x400, s23  }
0x1f: {  	[tilespmem:s23], [sflag:$0x3] =	stream.indirect_vreg.gather [hbm4b:s5+s3], $0x40, v0, vm0, $0xb8;
	[tilespmem:$0x10400] =	vst v63  }
0x20: {  	s30 =	simm.s32 $0x0  }
0x21: {  	[tilespmem:s14], [sflag:$0x2] =	stream.linear.gather [hbm4b:s8+s30], $0x200, $0x38;
	[tilespmem:$0x10400] =	vst v63  }
0x22: {  	_ =	swait.ge [sflag:s15], $0x200  }
0x23: {  	[sflag:s15] =	ssyncset.done $0x0  }
0x24: {  	[sflag:s15] =	ssyncadd.s32 $0xFFFFFE00  }
0x25: {  	_ =	swait.ge [sflag:s16], $0x400  }
0x26: {  	[sflag:s16] =	ssyncset.done $0x0  }
0x27: {  	[sflag:s16] =	ssyncadd.s32 $0xFFFFFC00  }
0x28: {  	_ =	swait.ge [sflag:s16], $0x400  }
0x29: {  	[sflag:s16] =	ssyncset.done $0x0  }
0x2a: {  	[sflag:s16] =	ssyncadd.s32 $0xFFFFFC00  }
0x2b: {  	_ =	swait.ge [sflag:s16], $0x400  }
0x2c: {  	[sflag:s16] =	ssyncset.done $0x0  }
0x2d: {  	[sflag:s16] =	ssyncadd.s32 $0xFFFFFC00  }
0x2e: {  	_ =	swait.ge [sflag:s16], $0x400  }
0x2f: {  	[sflag:s16] =	ssyncset.done $0x0  }
0x30: {  	[sflag:s16] =	ssyncadd.s32 $0xFFFFFC00  }
0x31: {  	_ =	swait.ge [sflag:s16], $0x400  }
0x32: {  	[sflag:s16] =	ssyncset.done $0x0  }
0x33: {  	[sflag:s16] =	ssyncadd.s32 $0xFFFFFC00  }
0x34: {  	_ =	swait.ge [sflag:s16], $0x400  }
0x35: {  	[sflag:s16] =	ssyncset.done $0x0  }
0x36: {  	[sflag:s16] =	ssyncadd.s32 $0xFFFFFC00  }
0x37: {  	_ =	swait.ge [sflag:s16], $0x400  }
0x38: {  	[sflag:s16] =	ssyncset.done $0x0  }
0x39: {  	[sflag:s16] =	ssyncadd.s32 $0xFFFFFC00  }
0x3a: {  	_ =	swait.ge [sflag:s16], $0x400  }
0x3b: {  	[sflag:s16] =	ssyncset.done $0x0  }
0x3c: {  	[sflag:s16] =	ssyncadd.s32 $0xFFFFFC00  }
0x3d: {  	_ =	swait.ge [sflag:s16], $0x400  }
0x3e: {  	[sflag:s16] =	ssyncset.done $0x0  }
0x3f: {  	[sflag:s16] =	ssyncadd.s32 $0xFFFFFC00  }
0x40: {  	_ =	swait.ge [sflag:s16], $0x400  }
0x41: {  	[sflag:s16] =	ssyncset.done $0x0  }
0x42: {  	[sflag:s16] =	ssyncadd.s32 $0xFFFFFC00  }
0x43: {  	_ =	swait.ge [sflag:s16], $0x400  }
0x44: {  	[sflag:s16] =	ssyncset.done $0x0  }
0x45: {  	[sflag:s16] =	ssyncadd.s32 $0xFFFFFC00  }
0x46: {  	_ =	swait.ge [sflag:s16], $0x400  }
0x47: {  	[sflag:s16] =	ssyncset.done $0x0  }
0x48: {  	[sflag:s16] =	ssyncadd.s32 $0xFFFFFC00  }
0x49: {  	_ =	swait.ge [sflag:s16], $0x400  }
0x4a: {  	[sflag:s16] =	ssyncset.done $0x0  }
0x4b: {  	[sflag:s16] =	ssyncadd.s32 $0xFFFFFC00  }
0x4c: {  	_ =	swait.ge [sflag:s16], $0x400  }
0x4d: {  	[sflag:s16] =	ssyncset.done $0x0  }
0x4e: {  	[sflag:s16] =	ssyncadd.s32 $0xFFFFFC00  }
0x4f: {  	_ =	swait.ge [sflag:s16], $0x400  }
0x50: {  	[sflag:s16] =	ssyncset.done $0x0  }
0x51: {  	[sflag:s16] =	ssyncadd.s32 $0xFFFFFC00  }
0x52: {  	_ =	swait.ge [sflag:s16], $0x400  }
0x53: {  	[sflag:s16] =	ssyncset.done $0x0  }
0x54: {  	[sflag:s16] =	ssyncadd.s32 $0xFFFFFC00  }
0x55: {  	_ =	swait.ge [sflag:s16], $0x400  }
0x56: {  	[sflag:s16] =	ssyncset.done $0x0  }
0x57: {  	[sflag:s16] =	ssyncadd.s32 $0xFFFFFC00  }
0x58: {  	_ =	swait.ge [sflag:s16], $0x400  }
0x59: {  	[sflag:s16] =	ssyncset.done $0x0  }
0x5a: {  	[sflag:s16] =	ssyncadd.s32 $0xFFFFFC00  }
0x5b: {  	_ =	swait.ge [sflag:s16], $0x400  }
0x5c: {  	[sflag:s16] =	ssyncset.done $0x0  }
0x5d: {  	[sflag:s16] =	ssyncadd.s32 $0xFFFFFC00  }
0x5e: {  	_ =	swait.ge [sflag:s16], $0x400  }
0x5f: {  	[sflag:s16] =	ssyncset.done $0x0  }
0x60: {  	[sflag:s16] =	ssyncadd.s32 $0xFFFFFC00  }
0x61: {  	_ =	swait.ge [sflag:s16], $0x400  }
0x62: {  	[sflag:s16] =	ssyncset.done $0x0  }
0x63: {  	[sflag:s16] =	ssyncadd.s32 $0xFFFFFC00  }
0x64: {  	_ =	swait.ge [sflag:s16], $0x400  }
0x65: {  	[sflag:s16] =	ssyncset.done $0x0  }
0x66: {  	[sflag:s16] =	ssyncadd.s32 $0xFFFFFC00  }
0x67: {  	_ =	swait.ge [sflag:s16], $0x400  }
0x68: {  	[sflag:s16] =	ssyncset.done $0x0  }
0x69: {  	[sflag:s16] =	ssyncadd.s32 $0xFFFFFC00  }
0x6a: {  	_ =	swait.ge [sflag:s16], $0x400  }
0x6b: {  	[sflag:s16] =	ssyncset.done $0x0  }
0x6c: {  	[sflag:s16] =	ssyncadd.s32 $0xFFFFFC00  }
0x6d: {  	_ =	swait.ge [sflag:s16], $0x400  }
0x6e: {  	[sflag:s16] =	ssyncset.done $0x0  }
0x6f: {  	[sflag:s16] =	ssyncadd.s32 $0xFFFFFC00  }
0x70: {  	_ =	swait.ge [sflag:s16], $0x400  }
0x71: {  	[sflag:s16] =	ssyncset.done $0x0  }
0x72: {  	[sflag:s16] =	ssyncadd.s32 $0xFFFFFC00  }
0x73: {  	_ =	swait.ge [sflag:s16], $0x400  }
0x74: {  	[sflag:s16] =	ssyncset.done $0x0  }
0x75: {  	[sflag:s16] =	ssyncadd.s32 $0xFFFFFC00  }
0x76: {  	_ =	swait.ge [sflag:s16], $0x400  }
0x77: {  	[sflag:s16] =	ssyncset.done $0x0  }
0x78: {  	[sflag:s16] =	ssyncadd.s32 $0xFFFFFC00  }
0x79: {  	_ =	swait.ge [sflag:s16], $0x400  }
0x7a: {  	[sflag:s16] =	ssyncset.done $0x0  }
0x7b: {  	[sflag:s16] =	ssyncadd.s32 $0xFFFFFC00  }
0x7c: {  	_ =	swait.ge [sflag:s16], $0x400  }
0x7d: {  	[sflag:s16] =	ssyncset.done $0x0  }
0x7e: {  	[sflag:s16] =	ssyncadd.s32 $0xFFFFFC00  }
0x7f: {  	_ =	swait.ge [sflag:s16], $0x400  }
0x80: {  	[sflag:s16] =	ssyncset.done $0x0  }
0x81: {  	[sflag:s16] =	ssyncadd.s32 $0xFFFFFC00  }
0x82: {  	_ =	swait.ge [sflag:s16], $0x400  }
0x83: {  	[sflag:s16] =	ssyncset.done $0x0  }
0x84: {  	s31 =	simm.s32 $0x0;
	[sflag:s16] =	ssyncadd.s32 $0xFFFFFC00  }
0x85: {  	v0 =	vld [tilespmem:s31+$0x200];
	_ =	sdelay $0x6  }
0x86: {  	s24 =	simm.s32 $0x10;
	s23 =	simm.s32 $0x8400  }
0x87: {  	[tilespmem:s23], [sflag:$0x4] =	stream.indirect_vreg.gather [hbm4b:s5+s3], $0x40, v0, vm0, $0xb8;
	[tilespmem:$0x10400] =	vst v63  }
0x88: {  	v0 =	vld [tilespmem:s24+$0x200];
	s24 =	simm.s32 $0x80  }
.LBB2_4:
0x89: {  	p0 =	sne.s32 s24, $0x7C0;
	_ =	sdelay $0x3  }
.Ltmp1:
0x8a: {  	(pc) =	sbr.rel @p0 .LBB2_4-.Ltmp1, $4  }
0x8b: {  	_ = 	snop  }
0x8c: {  	s25 =	sshra.s32 s24, $0x2;
	s23 =	sadd.s32 $0x400, s23  }
0x8d: {  	[tilespmem:s23], [sflag:$0x4] =	stream.indirect_vreg.gather [hbm4b:s5+s3], $0x40, v0, vm0, $0xb8;
	[tilespmem:$0x10400] =	vst v63  }
0x8e: {  	s24 =	sadd.s32 $0x40, s24;
	v0 =	vld [tilespmem:s25+$0x200]  }
0x8f: {  	_ =	sdelay $0x6  }
0x90: {  	s23 =	sadd.s32 $0x400, s23  }
0x91: {  	[tilespmem:s23], [sflag:$0x4] =	stream.indirect_vreg.gather [hbm4b:s5+s3], $0x40, v0, vm0, $0xb8;
	[tilespmem:$0x10400] =	vst v63  }
0x92: {  	_ = 	snop  }
0x93: {  	[hbm4b:s9+s3] =	stream.linear.scatter [tilespmem:s17], [sflag:$0x5], $0x8000, $0x38;
	[tilespmem:$0x10400] =	vst v63  }
0x94: {  	s23 =	simm.s32 $0x1  }
0x95: {  	[tilespmem:s3], [sflag:$0x1] =	stream.linear.gather [hbm4b:s10+s3], $0x200, $0x38;
	[tilespmem:$0x10400] =	vst v63  }
.LBB2_6:
0x96: {  	_ =	swait.ge [sflag:s18], $0x8000  }
0x97: {  	[sflag:s18] =	ssyncset.done $0x0  }
0x98: {  	[sflag:s18] =	ssyncadd.s32 $0xFFFF8000  }
0x99: {  	_ =	swait.ge [sflag:s13], $0x200  }
0x9a: {  	[sflag:s13] =	ssyncset.done $0x0  }
0x9b: {  	[sflag:s13] =	ssyncadd.s32 $0xFFFFFE00  }
0x9c: {  	_ =	swait.ge [sflag:s19], $0x400  }
0x9d: {  	[sflag:s19] =	ssyncset.done $0x0  }
0x9e: {  	[sflag:s19] =	ssyncadd.s32 $0xFFFFFC00  }
0x9f: {  	_ =	swait.ge [sflag:s19], $0x400  }
0xa0: {  	[sflag:s19] =	ssyncset.done $0x0  }
0xa1: {  	[sflag:s19] =	ssyncadd.s32 $0xFFFFFC00  }
0xa2: {  	_ =	swait.ge [sflag:s19], $0x400  }
0xa3: {  	[sflag:s19] =	ssyncset.done $0x0  }
0xa4: {  	[sflag:s19] =	ssyncadd.s32 $0xFFFFFC00  }
0xa5: {  	_ =	swait.ge [sflag:s19], $0x400  }
0xa6: {  	[sflag:s19] =	ssyncset.done $0x0  }
0xa7: {  	[sflag:s19] =	ssyncadd.s32 $0xFFFFFC00  }
0xa8: {  	_ =	swait.ge [sflag:s19], $0x400  }
0xa9: {  	[sflag:s19] =	ssyncset.done $0x0  }
0xaa: {  	[sflag:s19] =	ssyncadd.s32 $0xFFFFFC00  }
0xab: {  	_ =	swait.ge [sflag:s19], $0x400  }
0xac: {  	[sflag:s19] =	ssyncset.done $0x0  }
0xad: {  	[sflag:s19] =	ssyncadd.s32 $0xFFFFFC00  }
0xae: {  	_ =	swait.ge [sflag:s19], $0x400  }
0xaf: {  	[sflag:s19] =	ssyncset.done $0x0  }
0xb0: {  	[sflag:s19] =	ssyncadd.s32 $0xFFFFFC00  }
0xb1: {  	_ =	swait.ge [sflag:s19], $0x400  }
0xb2: {  	[sflag:s19] =	ssyncset.done $0x0  }
0xb3: {  	[sflag:s19] =	ssyncadd.s32 $0xFFFFFC00  }
0xb4: {  	_ =	swait.ge [sflag:s19], $0x400  }
0xb5: {  	[sflag:s19] =	ssyncset.done $0x0  }
0xb6: {  	[sflag:s19] =	ssyncadd.s32 $0xFFFFFC00  }
0xb7: {  	_ =	swait.ge [sflag:s19], $0x400  }
0xb8: {  	[sflag:s19] =	ssyncset.done $0x0  }
0xb9: {  	[sflag:s19] =	ssyncadd.s32 $0xFFFFFC00  }
0xba: {  	_ =	swait.ge [sflag:s19], $0x400  }
0xbb: {  	[sflag:s19] =	ssyncset.done $0x0  }
0xbc: {  	[sflag:s19] =	ssyncadd.s32 $0xFFFFFC00  }
0xbd: {  	_ =	swait.ge [sflag:s19], $0x400  }
0xbe: {  	[sflag:s19] =	ssyncset.done $0x0  }
0xbf: {  	[sflag:s19] =	ssyncadd.s32 $0xFFFFFC00  }
0xc0: {  	_ =	swait.ge [sflag:s19], $0x400  }
0xc1: {  	[sflag:s19] =	ssyncset.done $0x0  }
0xc2: {  	[sflag:s19] =	ssyncadd.s32 $0xFFFFFC00  }
0xc3: {  	_ =	swait.ge [sflag:s19], $0x400  }
0xc4: {  	[sflag:s19] =	ssyncset.done $0x0  }
0xc5: {  	[sflag:s19] =	ssyncadd.s32 $0xFFFFFC00  }
0xc6: {  	_ =	swait.ge [sflag:s19], $0x400  }
0xc7: {  	[sflag:s19] =	ssyncset.done $0x0  }
0xc8: {  	[sflag:s19] =	ssyncadd.s32 $0xFFFFFC00  }
0xc9: {  	_ =	swait.ge [sflag:s19], $0x400  }
0xca: {  	[sflag:s19] =	ssyncset.done $0x0  }
0xcb: {  	[sflag:s19] =	ssyncadd.s32 $0xFFFFFC00  }
0xcc: {  	_ =	swait.ge [sflag:s19], $0x400  }
0xcd: {  	[sflag:s19] =	ssyncset.done $0x0  }
0xce: {  	[sflag:s19] =	ssyncadd.s32 $0xFFFFFC00  }
0xcf: {  	_ =	swait.ge [sflag:s19], $0x400  }
0xd0: {  	[sflag:s19] =	ssyncset.done $0x0  }
0xd1: {  	[sflag:s19] =	ssyncadd.s32 $0xFFFFFC00  }
0xd2: {  	_ =	swait.ge [sflag:s19], $0x400  }
0xd3: {  	[sflag:s19] =	ssyncset.done $0x0  }
0xd4: {  	[sflag:s19] =	ssyncadd.s32 $0xFFFFFC00  }
0xd5: {  	_ =	swait.ge [sflag:s19], $0x400  }
0xd6: {  	[sflag:s19] =	ssyncset.done $0x0  }
0xd7: {  	[sflag:s19] =	ssyncadd.s32 $0xFFFFFC00  }
0xd8: {  	_ =	swait.ge [sflag:s19], $0x400  }
0xd9: {  	[sflag:s19] =	ssyncset.done $0x0  }
0xda: {  	[sflag:s19] =	ssyncadd.s32 $0xFFFFFC00  }
0xdb: {  	_ =	swait.ge [sflag:s19], $0x400  }
0xdc: {  	[sflag:s19] =	ssyncset.done $0x0  }
0xdd: {  	[sflag:s19] =	ssyncadd.s32 $0xFFFFFC00  }
0xde: {  	_ =	swait.ge [sflag:s19], $0x400  }
0xdf: {  	[sflag:s19] =	ssyncset.done $0x0  }
0xe0: {  	[sflag:s19] =	ssyncadd.s32 $0xFFFFFC00  }
0xe1: {  	_ =	swait.ge [sflag:s19], $0x400  }
0xe2: {  	[sflag:s19] =	ssyncset.done $0x0  }
0xe3: {  	[sflag:s19] =	ssyncadd.s32 $0xFFFFFC00  }
0xe4: {  	_ =	swait.ge [sflag:s19], $0x400  }
0xe5: {  	[sflag:s19] =	ssyncset.done $0x0  }
0xe6: {  	[sflag:s19] =	ssyncadd.s32 $0xFFFFFC00  }
0xe7: {  	_ =	swait.ge [sflag:s19], $0x400  }
0xe8: {  	[sflag:s19] =	ssyncset.done $0x0  }
0xe9: {  	[sflag:s19] =	ssyncadd.s32 $0xFFFFFC00  }
0xea: {  	_ =	swait.ge [sflag:s19], $0x400  }
0xeb: {  	[sflag:s19] =	ssyncset.done $0x0  }
0xec: {  	[sflag:s19] =	ssyncadd.s32 $0xFFFFFC00  }
0xed: {  	_ =	swait.ge [sflag:s19], $0x400  }
0xee: {  	[sflag:s19] =	ssyncset.done $0x0  }
0xef: {  	[sflag:s19] =	ssyncadd.s32 $0xFFFFFC00  }
0xf0: {  	_ =	swait.ge [sflag:s19], $0x400  }
0xf1: {  	[sflag:s19] =	ssyncset.done $0x0  }
0xf2: {  	[sflag:s19] =	ssyncadd.s32 $0xFFFFFC00  }
0xf3: {  	_ =	swait.ge [sflag:s19], $0x400  }
0xf4: {  	[sflag:s19] =	ssyncset.done $0x0  }
0xf5: {  	[sflag:s19] =	ssyncadd.s32 $0xFFFFFC00  }
0xf6: {  	_ =	swait.ge [sflag:s19], $0x400  }
0xf7: {  	[sflag:s19] =	ssyncset.done $0x0  }
0xf8: {  	[sflag:s19] =	ssyncadd.s32 $0xFFFFFC00  }
0xf9: {  	_ =	swait.ge [sflag:s19], $0x400  }
0xfa: {  	[sflag:s19] =	ssyncset.done $0x0  }
0xfb: {  	s24 =	simm.s32 $0x0;
	[sflag:s19] =	ssyncadd.s32 $0xFFFFFC00  }
0xfc: {  	v0 =	vld [tilespmem:s24+$0x0];
	_ =	sdelay $0x6  }
0xfd: {  	s25 =	simm.s32 $0x10;
	s24 =	simm.s32 $0x400  }
0xfe: {  	[tilespmem:s24], [sflag:$0x3] =	stream.indirect_vreg.gather [hbm4b:s5+s3], $0x40, v0, vm0, $0xb8;
	[tilespmem:$0x10400] =	vst v63  }
0xff: {  	v0 =	vld [tilespmem:s25+$0x0];
	s25 =	simm.s32 $0x80  }
.LBB2_7:
0x100: {  	p0 =	sne.s32 s25, $0x7C0;
	_ =	sdelay $0x3  }
.Ltmp2:
0x101: {  	(pc) =	sbr.rel @p0 .LBB2_7-.Ltmp2, $4  }
0x102: {  	_ = 	snop  }
0x103: {  	s26 =	sshra.s32 s25, $0x2;
	s24 =	sadd.s32 $0x400, s24  }
0x104: {  	[tilespmem:s24], [sflag:$0x3] =	stream.indirect_vreg.gather [hbm4b:s5+s3], $0x40, v0, vm0, $0xb8;
	[tilespmem:$0x10400] =	vst v63  }
0x105: {  	s25 =	sadd.s32 $0x40, s25;
	v0 =	vld [tilespmem:s26+$0x0]  }
0x106: {  	_ =	sdelay $0x6  }
0x107: {  	s24 =	sadd.s32 $0x400, s24  }
0x108: {  	[tilespmem:s24], [sflag:$0x3] =	stream.indirect_vreg.gather [hbm4b:s5+s3], $0x40, v0, vm0, $0xb8;
	[tilespmem:$0x10400] =	vst v63  }
0x109: {  	s24 =	sshll.u32 s23, $0x1  }
0x10a: {  	s25 =	sadd.s32 s4, s24  }
0x10b: {  	s26 =	sshll.u32 s25, $0xF  }
0x10c: {  	s26 =	sadd.s32 $0xFFFF8000, s26  }
0x10d: {  	s26 =	sshrl.u32 s26, $0x3  }
0x10e: {  	s29 =	simm.s32 $0x0;
	s28 =	sadd.s32 s2, s26;
	s26 =	simm.s32 $0x8400  }
0x10f: {  	[hbm4b:s28+s29] =	stream.linear.scatter [tilespmem:s26], [sflag:$0x6], $0x8000, $0x38;
	[tilespmem:$0x10400] =	vst v63  }
0x110: {  	s28 =	sshll.u32 s25, $0x6  }
0x111: {  	s28 =	sadd.s32 $0x40, s28  }
0x112: {  	s28 =	sand.u32 $0x1FFFFFC0, s28  }
0x113: {  	s28 =	sadd.s32 s6, s28  }
0x114: {  	[tilespmem:s14], [sflag:$0x2] =	stream.linear.gather [hbm4b:s28+s29], $0x200, $0x38;
	[tilespmem:$0x10400] =	vst v63  }
0x115: {  	_ =	swait.ge [sflag:s20], $0x8000  }
0x116: {  	[sflag:s20] =	ssyncset.done $0x0  }
0x117: {  	[sflag:s20] =	ssyncadd.s32 $0xFFFF8000  }
0x118: {  	_ =	swait.ge [sflag:s15], $0x200  }
0x119: {  	[sflag:s15] =	ssyncset.done $0x0  }
0x11a: {  	[sflag:s15] =	ssyncadd.s32 $0xFFFFFE00  }
0x11b: {  	_ =	swait.ge [sflag:s16], $0x400  }
0x11c: {  	[sflag:s16] =	ssyncset.done $0x0  }
0x11d: {  	[sflag:s16] =	ssyncadd.s32 $0xFFFFFC00  }
0x11e: {  	_ =	swait.ge [sflag:s16], $0x400  }
0x11f: {  	[sflag:s16] =	ssyncset.done $0x0  }
0x120: {  	[sflag:s16] =	ssyncadd.s32 $0xFFFFFC00  }
0x121: {  	_ =	swait.ge [sflag:s16], $0x400  }
0x122: {  	[sflag:s16] =	ssyncset.done $0x0  }
0x123: {  	[sflag:s16] =	ssyncadd.s32 $0xFFFFFC00  }
0x124: {  	_ =	swait.ge [sflag:s16], $0x400  }
0x125: {  	[sflag:s16] =	ssyncset.done $0x0  }
0x126: {  	[sflag:s16] =	ssyncadd.s32 $0xFFFFFC00  }
0x127: {  	_ =	swait.ge [sflag:s16], $0x400  }
0x128: {  	[sflag:s16] =	ssyncset.done $0x0  }
0x129: {  	[sflag:s16] =	ssyncadd.s32 $0xFFFFFC00  }
0x12a: {  	_ =	swait.ge [sflag:s16], $0x400  }
0x12b: {  	[sflag:s16] =	ssyncset.done $0x0  }
0x12c: {  	[sflag:s16] =	ssyncadd.s32 $0xFFFFFC00  }
0x12d: {  	_ =	swait.ge [sflag:s16], $0x400  }
0x12e: {  	[sflag:s16] =	ssyncset.done $0x0  }
0x12f: {  	[sflag:s16] =	ssyncadd.s32 $0xFFFFFC00  }
0x130: {  	_ =	swait.ge [sflag:s16], $0x400  }
0x131: {  	[sflag:s16] =	ssyncset.done $0x0  }
0x132: {  	[sflag:s16] =	ssyncadd.s32 $0xFFFFFC00  }
0x133: {  	_ =	swait.ge [sflag:s16], $0x400  }
0x134: {  	[sflag:s16] =	ssyncset.done $0x0  }
0x135: {  	[sflag:s16] =	ssyncadd.s32 $0xFFFFFC00  }
0x136: {  	_ =	swait.ge [sflag:s16], $0x400  }
0x137: {  	[sflag:s16] =	ssyncset.done $0x0  }
0x138: {  	[sflag:s16] =	ssyncadd.s32 $0xFFFFFC00  }
0x139: {  	_ =	swait.ge [sflag:s16], $0x400  }
0x13a: {  	[sflag:s16] =	ssyncset.done $0x0  }
0x13b: {  	[sflag:s16] =	ssyncadd.s32 $0xFFFFFC00  }
0x13c: {  	_ =	swait.ge [sflag:s16], $0x400  }
0x13d: {  	[sflag:s16] =	ssyncset.done $0x0  }
0x13e: {  	[sflag:s16] =	ssyncadd.s32 $0xFFFFFC00  }
0x13f: {  	_ =	swait.ge [sflag:s16], $0x400  }
0x140: {  	[sflag:s16] =	ssyncset.done $0x0  }
0x141: {  	[sflag:s16] =	ssyncadd.s32 $0xFFFFFC00  }
0x142: {  	_ =	swait.ge [sflag:s16], $0x400  }
0x143: {  	[sflag:s16] =	ssyncset.done $0x0  }
0x144: {  	[sflag:s16] =	ssyncadd.s32 $0xFFFFFC00  }
0x145: {  	_ =	swait.ge [sflag:s16], $0x400  }
0x146: {  	[sflag:s16] =	ssyncset.done $0x0  }
0x147: {  	[sflag:s16] =	ssyncadd.s32 $0xFFFFFC00  }
0x148: {  	_ =	swait.ge [sflag:s16], $0x400  }
0x149: {  	[sflag:s16] =	ssyncset.done $0x0  }
0x14a: {  	[sflag:s16] =	ssyncadd.s32 $0xFFFFFC00  }
0x14b: {  	_ =	swait.ge [sflag:s16], $0x400  }
0x14c: {  	[sflag:s16] =	ssyncset.done $0x0  }
0x14d: {  	[sflag:s16] =	ssyncadd.s32 $0xFFFFFC00  }
0x14e: {  	_ =	swait.ge [sflag:s16], $0x400  }
0x14f: {  	[sflag:s16] =	ssyncset.done $0x0  }
0x150: {  	[sflag:s16] =	ssyncadd.s32 $0xFFFFFC00  }
0x151: {  	_ =	swait.ge [sflag:s16], $0x400  }
0x152: {  	[sflag:s16] =	ssyncset.done $0x0  }
0x153: {  	[sflag:s16] =	ssyncadd.s32 $0xFFFFFC00  }
0x154: {  	_ =	swait.ge [sflag:s16], $0x400  }
0x155: {  	[sflag:s16] =	ssyncset.done $0x0  }
0x156: {  	[sflag:s16] =	ssyncadd.s32 $0xFFFFFC00  }
0x157: {  	_ =	swait.ge [sflag:s16], $0x400  }
0x158: {  	[sflag:s16] =	ssyncset.done $0x0  }
0x159: {  	[sflag:s16] =	ssyncadd.s32 $0xFFFFFC00  }
0x15a: {  	_ =	swait.ge [sflag:s16], $0x400  }
0x15b: {  	[sflag:s16] =	ssyncset.done $0x0  }
0x15c: {  	[sflag:s16] =	ssyncadd.s32 $0xFFFFFC00  }
0x15d: {  	_ =	swait.ge [sflag:s16], $0x400  }
0x15e: {  	[sflag:s16] =	ssyncset.done $0x0  }
0x15f: {  	[sflag:s16] =	ssyncadd.s32 $0xFFFFFC00  }
0x160: {  	_ =	swait.ge [sflag:s16], $0x400  }
0x161: {  	[sflag:s16] =	ssyncset.done $0x0  }
0x162: {  	[sflag:s16] =	ssyncadd.s32 $0xFFFFFC00  }
0x163: {  	_ =	swait.ge [sflag:s16], $0x400  }
0x164: {  	[sflag:s16] =	ssyncset.done $0x0  }
0x165: {  	[sflag:s16] =	ssyncadd.s32 $0xFFFFFC00  }
0x166: {  	_ =	swait.ge [sflag:s16], $0x400  }
0x167: {  	[sflag:s16] =	ssyncset.done $0x0  }
0x168: {  	[sflag:s16] =	ssyncadd.s32 $0xFFFFFC00  }
0x169: {  	_ =	swait.ge [sflag:s16], $0x400  }
0x16a: {  	[sflag:s16] =	ssyncset.done $0x0  }
0x16b: {  	[sflag:s16] =	ssyncadd.s32 $0xFFFFFC00  }
0x16c: {  	_ =	swait.ge [sflag:s16], $0x400  }
0x16d: {  	[sflag:s16] =	ssyncset.done $0x0  }
0x16e: {  	[sflag:s16] =	ssyncadd.s32 $0xFFFFFC00  }
0x16f: {  	_ =	swait.ge [sflag:s16], $0x400  }
0x170: {  	[sflag:s16] =	ssyncset.done $0x0  }
0x171: {  	[sflag:s16] =	ssyncadd.s32 $0xFFFFFC00  }
0x172: {  	_ =	swait.ge [sflag:s16], $0x400  }
0x173: {  	[sflag:s16] =	ssyncset.done $0x0  }
0x174: {  	[sflag:s16] =	ssyncadd.s32 $0xFFFFFC00  }
0x175: {  	_ =	swait.ge [sflag:s16], $0x400  }
0x176: {  	[sflag:s16] =	ssyncset.done $0x0  }
0x177: {  	[sflag:s16] =	ssyncadd.s32 $0xFFFFFC00  }
0x178: {  	_ =	swait.ge [sflag:s16], $0x400  }
0x179: {  	[sflag:s16] =	ssyncset.done $0x0  }
0x17a: {  	s28 =	simm.s32 $0x0;
	[sflag:s16] =	ssyncadd.s32 $0xFFFFFC00  }
0x17b: {  	v0 =	vld [tilespmem:s28+$0x200];
	_ =	sdelay $0x6  }
0x17c: {  	s28 =	simm.s32 $0x10  }
0x17d: {  	[tilespmem:s26], [sflag:$0x4] =	stream.indirect_vreg.gather [hbm4b:s5+s3], $0x40, v0, vm0, $0xb8;
	[tilespmem:$0x10400] =	vst v63  }
0x17e: {  	v0 =	vld [tilespmem:s28+$0x200];
	s28 =	simm.s32 $0x80  }
.LBB2_9:
0x17f: {  	p0 =	sne.s32 s28, $0x7C0;
	_ =	sdelay $0x3  }
.Ltmp3:
0x180: {  	(pc) =	sbr.rel @p0 .LBB2_9-.Ltmp3, $4  }
0x181: {  	_ = 	snop  }
0x182: {  	s29 =	sshra.s32 s28, $0x2;
	s26 =	sadd.s32 $0x400, s26  }
0x183: {  	[tilespmem:s26], [sflag:$0x4] =	stream.indirect_vreg.gather [hbm4b:s5+s3], $0x40, v0, vm0, $0xb8;
	[tilespmem:$0x10400] =	vst v63  }
0x184: {  	s28 =	sadd.s32 $0x40, s28;
	v0 =	vld [tilespmem:s29+$0x200]  }
0x185: {  	_ =	sdelay $0x3  }
0x186: {  	s24 =	sadd.s32 $0x2, s24  }
0x187: {  	p0 =	seq.s32 s24, $0x1A  }
0x188: {  	s26 =	sadd.s32 $0x400, s26;
	s23 =	sadd.s32 $0x1, s23;
	s24 =	simm.s32 @p0 $0x0  }
0x189: {  	s25 =	sshll.u32 s25, $0xC;
	p0 =	sne.s32 s23, $0xD;
	s24 =	sadd.s32 s4, s24  }
0x18a: {  	[tilespmem:s26], [sflag:$0x4] =	stream.indirect_vreg.gather [hbm4b:s5+s3], $0x40, v0, vm0, $0xb8;
	[tilespmem:$0x10400] =	vst v63  }
.Ltmp4:
0x18b: {  	s25 =	sand.u32 $0x1FFFE000, s25;
	s24 =	sshll.u32 s24, $0x6;
	(pc) =	sbr.rel @p0 .LBB2_6-.Ltmp4, $4  }
0x18c: {  	s25 =	sadd.s32 s2, s25;
	s24 =	sand.u32 $0x1FFFFF80, s24  }
0x18d: {  	[hbm4b:s25+s3] =	stream.linear.scatter [tilespmem:s17], [sflag:$0x5], $0x8000, $0x38;
	[tilespmem:$0x10400] =	vst v63  }
0x18e: {  	s24 =	sadd.s32 s6, s24  }
0x18f: {  	[tilespmem:s3], [sflag:$0x1] =	stream.linear.gather [hbm4b:s24+s3], $0x200, $0x38;
	[tilespmem:$0x10400] =	vst v63  }
0x190: {  	_ =	swait.ge [sflag:s19], $0x400  }
0x191: {  	[sflag:s19] =	ssyncset.done $0x0  }
0x192: {  	[sflag:s19] =	ssyncadd.s32 $0xFFFFFC00  }
0x193: {  	_ =	swait.ge [sflag:s19], $0x400  }
0x194: {  	[sflag:s19] =	ssyncset.done $0x0  }
0x195: {  	[sflag:s19] =	ssyncadd.s32 $0xFFFFFC00  }
0x196: {  	_ =	swait.ge [sflag:s19], $0x400  }
0x197: {  	[sflag:s19] =	ssyncset.done $0x0  }
0x198: {  	[sflag:s19] =	ssyncadd.s32 $0xFFFFFC00  }
0x199: {  	_ =	swait.ge [sflag:s19], $0x400  }
0x19a: {  	[sflag:s19] =	ssyncset.done $0x0  }
0x19b: {  	[sflag:s19] =	ssyncadd.s32 $0xFFFFFC00  }
0x19c: {  	_ =	swait.ge [sflag:s19], $0x400  }
0x19d: {  	[sflag:s19] =	ssyncset.done $0x0  }
0x19e: {  	[sflag:s19] =	ssyncadd.s32 $0xFFFFFC00  }
0x19f: {  	_ =	swait.ge [sflag:s19], $0x400  }
0x1a0: {  	[sflag:s19] =	ssyncset.done $0x0  }
0x1a1: {  	[sflag:s19] =	ssyncadd.s32 $0xFFFFFC00  }
0x1a2: {  	_ =	swait.ge [sflag:s19], $0x400  }
0x1a3: {  	[sflag:s19] =	ssyncset.done $0x0  }
0x1a4: {  	[sflag:s19] =	ssyncadd.s32 $0xFFFFFC00  }
0x1a5: {  	_ =	swait.ge [sflag:s19], $0x400  }
0x1a6: {  	[sflag:s19] =	ssyncset.done $0x0  }
0x1a7: {  	[sflag:s19] =	ssyncadd.s32 $0xFFFFFC00  }
0x1a8: {  	_ =	swait.ge [sflag:s19], $0x400  }
0x1a9: {  	[sflag:s19] =	ssyncset.done $0x0  }
0x1aa: {  	[sflag:s19] =	ssyncadd.s32 $0xFFFFFC00  }
0x1ab: {  	_ =	swait.ge [sflag:s19], $0x400  }
0x1ac: {  	[sflag:s19] =	ssyncset.done $0x0  }
0x1ad: {  	[sflag:s19] =	ssyncadd.s32 $0xFFFFFC00  }
0x1ae: {  	_ =	swait.ge [sflag:s19], $0x400  }
0x1af: {  	[sflag:s19] =	ssyncset.done $0x0  }
0x1b0: {  	[sflag:s19] =	ssyncadd.s32 $0xFFFFFC00  }
0x1b1: {  	_ =	swait.ge [sflag:s19], $0x400  }
0x1b2: {  	[sflag:s19] =	ssyncset.done $0x0  }
0x1b3: {  	[sflag:s19] =	ssyncadd.s32 $0xFFFFFC00  }
0x1b4: {  	_ =	swait.ge [sflag:s19], $0x400  }
0x1b5: {  	[sflag:s19] =	ssyncset.done $0x0  }
0x1b6: {  	[sflag:s19] =	ssyncadd.s32 $0xFFFFFC00  }
0x1b7: {  	_ =	swait.ge [sflag:s19], $0x400  }
0x1b8: {  	[sflag:s19] =	ssyncset.done $0x0  }
0x1b9: {  	[sflag:s19] =	ssyncadd.s32 $0xFFFFFC00  }
0x1ba: {  	_ =	swait.ge [sflag:s19], $0x400  }
0x1bb: {  	[sflag:s19] =	ssyncset.done $0x0  }
0x1bc: {  	[sflag:s19] =	ssyncadd.s32 $0xFFFFFC00  }
0x1bd: {  	_ =	swait.ge [sflag:s19], $0x400  }
0x1be: {  	[sflag:s19] =	ssyncset.done $0x0  }
0x1bf: {  	[sflag:s19] =	ssyncadd.s32 $0xFFFFFC00  }
0x1c0: {  	_ =	swait.ge [sflag:s19], $0x400  }
0x1c1: {  	[sflag:s19] =	ssyncset.done $0x0  }
0x1c2: {  	[sflag:s19] =	ssyncadd.s32 $0xFFFFFC00  }
0x1c3: {  	_ =	swait.ge [sflag:s19], $0x400  }
0x1c4: {  	[sflag:s19] =	ssyncset.done $0x0  }
0x1c5: {  	[sflag:s19] =	ssyncadd.s32 $0xFFFFFC00  }
0x1c6: {  	_ =	swait.ge [sflag:s19], $0x400  }
0x1c7: {  	[sflag:s19] =	ssyncset.done $0x0  }
0x1c8: {  	[sflag:s19] =	ssyncadd.s32 $0xFFFFFC00  }
0x1c9: {  	_ =	swait.ge [sflag:s19], $0x400  }
0x1ca: {  	[sflag:s19] =	ssyncset.done $0x0  }
0x1cb: {  	[sflag:s19] =	ssyncadd.s32 $0xFFFFFC00  }
0x1cc: {  	_ =	swait.ge [sflag:s19], $0x400  }
0x1cd: {  	[sflag:s19] =	ssyncset.done $0x0  }
0x1ce: {  	[sflag:s19] =	ssyncadd.s32 $0xFFFFFC00  }
0x1cf: {  	_ =	swait.ge [sflag:s19], $0x400  }
0x1d0: {  	[sflag:s19] =	ssyncset.done $0x0  }
0x1d1: {  	[sflag:s19] =	ssyncadd.s32 $0xFFFFFC00  }
0x1d2: {  	_ =	swait.ge [sflag:s19], $0x400  }
0x1d3: {  	[sflag:s19] =	ssyncset.done $0x0  }
0x1d4: {  	[sflag:s19] =	ssyncadd.s32 $0xFFFFFC00  }
0x1d5: {  	_ =	swait.ge [sflag:s19], $0x400  }
0x1d6: {  	[sflag:s19] =	ssyncset.done $0x0  }
0x1d7: {  	[sflag:s19] =	ssyncadd.s32 $0xFFFFFC00  }
0x1d8: {  	_ =	swait.ge [sflag:s19], $0x400  }
0x1d9: {  	[sflag:s19] =	ssyncset.done $0x0  }
0x1da: {  	[sflag:s19] =	ssyncadd.s32 $0xFFFFFC00  }
0x1db: {  	_ =	swait.ge [sflag:s19], $0x400  }
0x1dc: {  	[sflag:s19] =	ssyncset.done $0x0  }
0x1dd: {  	[sflag:s19] =	ssyncadd.s32 $0xFFFFFC00  }
0x1de: {  	_ =	swait.ge [sflag:s19], $0x400  }
0x1df: {  	[sflag:s19] =	ssyncset.done $0x0  }
0x1e0: {  	[sflag:s19] =	ssyncadd.s32 $0xFFFFFC00  }
0x1e1: {  	_ =	swait.ge [sflag:s19], $0x400  }
0x1e2: {  	[sflag:s19] =	ssyncset.done $0x0  }
0x1e3: {  	[sflag:s19] =	ssyncadd.s32 $0xFFFFFC00  }
0x1e4: {  	_ =	swait.ge [sflag:s19], $0x400  }
0x1e5: {  	[sflag:s19] =	ssyncset.done $0x0  }
0x1e6: {  	[sflag:s19] =	ssyncadd.s32 $0xFFFFFC00  }
0x1e7: {  	_ =	swait.ge [sflag:s19], $0x400  }
0x1e8: {  	[sflag:s19] =	ssyncset.done $0x0  }
0x1e9: {  	[sflag:s19] =	ssyncadd.s32 $0xFFFFFC00  }
0x1ea: {  	_ =	swait.ge [sflag:s19], $0x400  }
0x1eb: {  	[sflag:s19] =	ssyncset.done $0x0  }
0x1ec: {  	[sflag:s19] =	ssyncadd.s32 $0xFFFFFC00  }
0x1ed: {  	_ =	swait.ge [sflag:s19], $0x400  }
0x1ee: {  	[sflag:s19] =	ssyncset.done $0x0  }
0x1ef: {  	[sflag:s19] =	ssyncadd.s32 $0xFFFFFC00  }
0x1f0: {  	[hbm4b:s11+s3] =	stream.linear.scatter [tilespmem:s21], [sflag:$0x6], $0x8000, $0x38;
	[tilespmem:$0x10400] =	vst v63  }
0x1f1: {  	_ =	swait.ge [sflag:s18], $0x8000  }
0x1f2: {  	[sflag:s18] =	ssyncset.done $0x0  }
0x1f3: {  	s22 =	sadd.s32 $0x1, s22;
	[sflag:s18] =	ssyncadd.s32 $0xFFFF8000  }
0x1f4: {  	p0 =	sne.s32 s22, s12;
	_ =	swait.ge [sflag:s20], $0x8000  }
.Ltmp5:
0x1f5: {  	[sflag:s20] =	ssyncset.done $0x0;
	(pc) =	sbr.rel @p0 .LBB2_1-.Ltmp5, $4  }
0x1f6: {  	[sflag:s20] =	ssyncadd.s32 $0xFFFF8000  }
0x1f7: {  	_ =	swait.ge [sflag:s13], $0x200  }
0x1f8: {  	[sflag:s13] =	ssyncset.done $0x0  }
0x1f9: {  	[sflag:s13] =	ssyncadd.s32 $0xFFFFFE00  }
0x1fa: {  	_ =	sfence.sel $0x180000  }
0x1fb: {  	[bflag:$0x0] =	sbarrier.arrive $0xFFFF  }
0x1fc: {  	p0 =	sne.s32 s0, $0x0;
	_ =	strace $0x90000047  }
0x1fd: {  	s0 =	sadd.s32 @!p0 $0x100000, s1;
	[bflag:$0x2] =	sbarrier.arrive $0xFFFF  }
0x1fe: {  	[sflag:s0] =	ssyncadd.tile.s32 @!p0 $0x1;
	_ =	shalt  }
.Lfunc_end2:
_tile_overlayer_lowered:
.L_overlay_start_2:
0x1ff: {  	(tag) =	ssettag $0x2  }
0x200: {  	s0 =	rddreg [dreg:$0x0];
	s2 =	stileid.u32  }
0x201: {  	s1 =	rddreg [dreg:$0x1];
	p0 =	sne.s32 s2, $0x0  }
0x202: {  	s3 =	rddreg [dreg:$0x2];
	[bflag:$0x3] =	sbarrier.arrive $0xFFFF;
	s2 =	simm.s32 @!p0 $0x1C07  }
0x203: {  	[timem:s3], [sflag:s2] =	dma.local @!p0 [hbm:s0], s1  }
0x204: {  	s0 =	simm.s32 @!p0 $0x7  }
0x205: {  	_ =	swait.ge @!p0 [sflag:s0], s1  }
0x206: {  	s1 =	ssub.s32 @!p0 $0x0, s1;
	[sflag:s0] =	ssyncset.done @!p0 $0x0  }
0x207: {  	[sflag:s0] =	ssyncadd.s32 @!p0 s1  }
0x208: {  	[bflag:$0x3] =	sbarrier.arrive $0xFFFF  }
0x209: {  	_ =	shalt  }

// kernel: sparse-core-data-format-call.cloned.1.call-start
scs
called_computation_lowered:
.L_overlay_start_0:
0x0: {  	s2 =	sld [smem:$0x3FD9]  }
0x1: {  	s3 =	sld [smem:$0x3FFE];
	_ =	sdelay $0x1  }
0x2: {  	s1 =	srdreg.scid  }
0x3: {  	s0 =	sand.u32 $0x1, s1  }
0x4: {  	s18 =	sshll.u32 s0, $0xA;
	s2 =	sadd.s32 s3, s2  }
0x5: {  	s2 =	sadd.s32 s2, s18  }
0x6: {  	[smem:$0x3FC6] =	sst s2  }
0x7: {  	_ = 	snop  }
0x8: {  	s2 =	sld [smem:$0x3FD0];
	(tm) =	ssettm $0x1  }
0x9: {  	s19 =	sld [smem:$0x3FFB];
	_ =	sdelay $0x3  }
0xa: {  	_ =	strace s19  }
0xb: {  	s3 =	sld [smem:$0x3FFC];
	_ =	sdelay $0x3  }
0xc: {  	_ =	strace s3  }
0xd: {  	s3 =	sld [smem:$0x3FFD];
	_ =	sdelay $0x3  }
0xe: {  	_ =	strace s3  }
0xf: {  	_ =	strace $0x8FFFFFFF  }
0x10: {  	s20 =	sld [smem:$0x3FDB];
	_ =	sdelay $0x1  }
0x11: {  	s4 =	simm.s32 $_scs_section_size  }
0x12: {  	s5 =	simm.s32 $_size__tile_overlayer_lowered;
	s6 =	simm.s32 $_tile_overlayer_lowered  }
0x13: {  	s23 =	simm.s32 $0x1BFF;
	s22 =	sshll.u32 s6, $0x1;
	s3 =	sadd.s32 s4, s20  }
0x14: {  	s7 =	simm.s32 $0x0;
	s21 =	sshll.u32 s5, $0x1;
	s5 =	sadd.s32 s22, s3  }
0x15: {  	[timem:s7], [sflag:s23] =	dma.local [hbm:s5], s21  }
0x16: {  	_ =	swait.ge [sflag:s23], s21  }
0x17: {  	s4 =	ssub.s32 $0x0, s21;
	[sflag:s23] =	ssyncset.done $0x0  }
0x18: {  	[sflag:s23] =	ssyncadd.s32 s4;
	_ =	sdelay $0x1  }
0x19: {  	s24 =	simm.s32 $0x1B8B  }
0x1a: {  	_ =	swait.ge [sflag:s24], $0x1  }
0x1b: {  	[sflag:s24] =	ssyncset.done $0x0  }
0x1c: {  	s26 =	simm.s32 $0x1B8E;
	s25 =	sld [smem:$0x3FFE];
	[sflag:s24] =	ssyncadd.s32 $0xFFFFFFFF  }
0x1d: {  	s27 =	simm.s32 $execute0_lowered;
	[smem:$0x3FD2] =	sst s26  }
0x1e: {  	s5 =	sshll.u32 s27, $0x1;
	_ =	strace $0x80000049;
	[dreg:$0x1] =	wrdreg $0xFFFFFFFF  }
0x1f: {  	s28 =	simm.s32 $_size_execute0_lowered;
	s3 =	sadd.s32 s3, s5;
	[dreg:$0x0] =	wrdreg $0x0  }
0x20: {  	s5 =	sshll.u32 s28, $0x1;
	[dreg:$0x2] =	wrdreg s3  }
0x21: {  	[dreg:$0x3] =	wrdreg s5  }
0x22: {  	[dreg:$0x4] =	wrdreg $0xC0  }
0x23: {  	_ =	task [dreg:s7], $0x5FFFF  }
0x24: {  	[dreg:$0x1] =	wrdreg $0xFFFFFFFF  }
0x25: {  	[dreg:$0x0] =	wrdreg $0x60  }
0x26: {  	[dreg:$0x2] =	wrdreg s25  }
0x27: {  	[dreg:$0x3] =	wrdreg s2  }
0x28: {  	[dreg:$0x4] =	wrdreg $0x9  }
0x29: {  	_ =	task.clear_ibuf [dreg:s7], $0x5FFFF;
	_ =	strace $0x90000049  }
0x2a: {  	s29 =	simm.s32 $0x9;
	_ =	strace $0x8000004B  }
0x2b: {  	_ =	swait.ge [sflag:s29], $0x1  }
0x2c: {  	[sflag:s29] =	ssyncadd.s32 $0xFFFFFFFF  }
0x2d: {  	_ =	strace $0x9000004B  }
0x2e: {  	_ =	sfence  }
0x2f: {  	s30 =	sld [smem:$0x0];
	_ =	sdelay $0x2  }
0x30: {  	s31 =	sshll.u32 s1, $0xD;
	s1 =	sshrl.u32 s1, $0x2  }
0x31: {  	s3 =	sand.u32 $0x4000, s31;
	s1 =	sadd.s32 s1, s30  }
0x32: {  	s0 =	sor.u32 s3, s0;
	s1 =	sshll.u32 s1, $0x11  }
0x33: {  	s0 =	sor.u32 s1, s0  }
0x34: {  	s0 =	sadd.s32 $0x8F2B, s0  }
0x35: {  	[sflag:s0] =	ssyncadd.remote.s32 $0x1  }
0x36: {  	_ =	sfence.sel $0xFFFF  }
0x37: {  	[dreg:$0x0] =	wrdreg $0xFFFFFFFF;
	(pc) =	sbr.abs _section_cstart, $3  }
0x38: {  	[dreg:$0x1] =	wrdreg $0xFFFFFFFF  }
0x39: {  	_ =	task.clear_ibuf [dreg:s7], $0x2FFFF;
	_ =	strace $0x9FFFFFFF  }
0x3a: {  	(tm) =	ssettm $0x7FFFFFFF  }
0x3b: {  	_ =	shalt  }
tec
execute0_lowered:
.L_overlay_start_1:
0x0: {  	(tag) =	ssettag $0x1  }
0x1: {  	s0 =	srdreg.scid  }
0x2: {  	s1 =	sshll.u32 s0, $0x4  }
0x3: {  	s0 =	stileid.u32;
	s1 =	sand.u32 $0x10, s1  }
0x4: {  	s1 =	sor.u32 s0, s1  }
0x5: {  	s6 =	rddreg [dreg:$0x0];
	s4 =	simm.s32 $0x1;
	s2 =	sshll.u32 s1, $0x7  }
0x6: {  	s7 =	simm.s32 $0x2;
	s12 =	simm.s32 $0x0;
	s1 =	ssub.s32 $0x4000, s2  }
0x7: {  	s8 =	simm.s32 $0x20000;
	s13 =	simm.s32 $0x0;
	s3 =	sand.u32 $0xF80, s1  }
0x8: {  	s9 =	simm.s32 $0x0;
	s5 =	sshrl.u32 s1, $0xC;
	p0 =	sne.s32 s3, $0x0  }
.Ltmp0:
0x9: {  	s1 =	rddreg [dreg:$0x2];
	s4 =	simm.s32 @!p0 $0x0;
	(pc) =	sbr.rel .LBB1_1-.Ltmp0, $4  }
0xa: {  	s11 =	simm.s32 $0x0;
	s3 =	rddreg [dreg:$0x1];
	s5 =	sadd.s32 s4, s5  }
0xb: {  	_ =	strace $0x8000004A;
	s4 =	simm.s32 $0x1;
	s5 =	smul.u32 $0x1A, s5  }
0xc: {  	s6 =	sadd.s32 $0xC00, s6;
	s10 =	smov.u32 s2;
	[sflag:s4] =	ssyncpa.u1 $0x0  }
0xd: {  	p0 =	por $0x0, $0x0;
	[sflag:s7] =	ssyncpa.u1 $0x0;
	s7 =	sor.u32 $0x1, s5  }
.LBB1_4:
0xe: {  	s16 =	sshll.u32 s13, $0x3;
	s17 =	sand.u32 $0x78, s13  }
0xf: {  	s30 =	sand.u32 $0x1F800, s13;
	s12 =	sshll.u32 s12, $0x11;
	s16 =	sand.u32 $0x3C00, s16  }
0x10: {  	[tilespmem:s15+$0x810 ss:$0x81] =	vst.msk $0xffff, v2;
	s31 =	sand.u32 $0x7, s13;
	s16 =	sor.u32 s17, s16;
	s17 =	sadd.s32 s3, s30  }
0x11: {  	[tilespmem:s15+$0x1020 ss:$0x81] =	vst.msk $0xffff, v0;
	s13 =	sshll.u32 s31, $0x12;
	s12 =	sadd.s32 s12, s17;
	s16 =	sshrl.u32 s16, $0x3  }
0x12: {  	[tilespmem:s15+$0x0 ss:$0x81] =	vst.msk $0xffff, v1;
	s13 =	sor.u32 $0x400, s13;
	s12 =	sadd.s32 s16, s12  }
0x13: {  	[hbm4b:s12+s13] =	stream.strided.scatter [tilespmem:s14], [sflag:$0x2], $0x2000, s8, s13, $0x20;
	[tilespmem:$0x8080] =	vst v63  }
.LBB1_5:
0x14: {  	s14 =	sadd.s32 $0x1, s9  }
0x15: {  	s12 =	sadd.s32 $0x1000, s10;
	s16 =	smov.u32 s10;
	p2 =	sgt.s32 s14, $0x19  }
0x16: {  	s16 =	smov.u32 @p2 s12  }
0x17: {  	s14 =	simm.s32 @p2 $0x0;
	p2 =	sgt.s32 s16, $0x3FFF  }
0x18: {  	s16 =	smov.u32 @p2 s2;
	p2 =	sne.s32 s11, s7  }
.Ltmp1:
0x19: {  	p1 =	slt.u32 s11, $0x2;
	(pc) =	sbr.rel @!p2 .LBB1_6-.Ltmp1, $4  }
0x1a: {  	s15 =	simm.s32 @!p1 $0x2  }
0x1b: {  	s13 =	smov.u32 s10;
	p0 =	por !p0, !p0;
	_ =	swait.ge @!p1 [sflag:s15], $0x2000  }
0x1c: {  	s12 =	smov.u32 s9;
	[sflag:s15] =	ssyncset.done @!p1 $0x0;
	s9 =	smov.u32 s14  }
0x1d: {  	s11 =	sadd.s32 $0x1, s11;
	[sflag:s15] =	ssyncadd.s32 @!p1 $0xFFFFE000;
	s10 =	smov.u32 s16  }
.LBB1_1:
0x1e: {  	p1 =	sge.u32 s11, s5  }
0x1f: {  	s31 =	sadd.s32 $0xFFFFFFFF, s11;
	s14 =	sxor.u32 @!p1 $0xFFFFFFFF, s11  }
0x20: {  	s15 =	sshll.u32 @!p1 s10, $0x9;
	s16 =	sshll.u32 @!p1 s9, $0x4;
	s17 =	simm.s32 @!p1 $0x1000  }
0x21: {  	s14 =	sshll.u32 @!p1 s14, $0xD;
	s16 =	sand.u32 @!p1 $0x1F0, s16;
	s15 =	sadd.s32 @!p1 s6, s15  }
0x22: {  	s14 =	sand.u32 @!p1 $0x2000, s14;
	s15 =	sadd.s32 @!p1 s16, s15;
	s16 =	simm.s32 @!p1 $0x40  }
0x23: {  	[tilespmem:s14], [sflag:$0x1] =	stream.strided.gather @!p1 [hbm4b:s15+s16], $0x2000, s17, s16, $0x38;
	[tilespmem:$0x8080] =	vst v63  }
0x24: {  	p1 =	sge.u32 s31, s5  }
.Ltmp2:
0x25: {  	_ = 	snop;
	(pc) =	sbr.rel @p1 .LBB1_5-.Ltmp2, $1  }
0x26: {  	_ =	sdelay $0x3  }
0x27: {  	s14 =	simm.s32 $0x1  }
0x28: {  	_ =	swait.ge [sflag:s4], $0x2000;
	s14 =	simm.s32 @!p0 $0x0  }
0x29: {  	[sflag:s4] =	ssyncset.done $0x0;
	s15 =	sshll.u32 s14, $0xD  }
0x2a: {  	[sflag:s4] =	ssyncadd.s32 $0xFFFFE000;
	s18 =	sor.u32 $0x20, s15  }
0x2b: {  	s14 =	smul.u32 $0x8100, s14;
	v3 =	vld [tilespmem:s18+$0x10]  }
0x2c: {  	s30 =	sand.u32 $0x1, s11;
	v2 =	vld [tilespmem:s18+$0xFFFFFFF0]  }
0x2d: {  	s15 =	smul.u32 $0x8100, s30;
	s14 =	sshrl.u32 s14, $0x2;
	v0 =	vld [tilespmem:s18+$0x0]  }
0x2e: {  	v1 =	vld [tilespmem:s18+$0xFFFFFFE0];
	s16 =	sor.u32 $0x4000, s14  }
0x2f: {  	s31 =	sshrl.u32 s15, $0x2;
	s15 =	sadd.s32 $0x0, s16  }
0x30: {  	s17 =	simm.s32 $0x4;
	s18 =	sadd.s32 $0x40, s18;
	s14 =	sor.u32 $0x4000, s31;
	[tilespmem:s15+$0x1830 ss:$0x81] =	vst.msk $0xffff, v3  }
.LBB1_3:
0x31: {  	v3 =	vld [tilespmem:s18+$0x10];
	p1 =	sne.s32 s17, $0x1FC;
	[tilespmem:s15+$0x810 ss:$0x81] =	vst.msk $0xffff, v2;
	s19 =	smov.u32 s17;
	s17 =	sadd.s32 $0x4, s17  }
.Ltmp3:
0x32: {  	v2 =	vld [tilespmem:s18+$0xFFFFFFF0];
	[tilespmem:s15+$0x1020 ss:$0x81] =	vst.msk $0xffff, v0;
	(pc) =	sbr.rel @p1 .LBB1_3-.Ltmp3, $4  }
0x33: {  	v0 =	vld [tilespmem:s18+$0x0];
	[tilespmem:s15+$0x0 ss:$0x81] =	vst.msk $0xffff, v1  }
0x34: {  	s15 =	sshra.s32 s19, $0x2;
	v1 =	vld [tilespmem:s18+$0xFFFFFFE0]  }
0x35: {  	s15 =	sadd.s32 s15, s16  }
0x36: {  	s18 =	sadd.s32 $0x40, s18;
	[tilespmem:s15+$0x1830 ss:$0x81] =	vst.msk $0xffff, v3  }
.Ltmp4:
0x37: {  	_ = 	snop;
	(pc) =	sbr.rel .LBB1_4-.Ltmp4, $1  }
0x38: {  	_ =	sdelay $0x3  }
.LBB1_6:
0x39: {  	_ =	sfence.sel $0x180000  }
0x3a: {  	s2 =	simm.s32 $0x1;
	[bflag:$0x0] =	sbarrier.arrive $0xFFFF  }
0x3b: {  	s31 =	simm.s32 $0x2;
	[sflag:s2] =	ssyncpa.u1 $0x1  }
0x3c: {  	[sflag:s31] =	ssyncpa.u1 $0x1  }
0x3d: {  	p0 =	sne.s32 s0, $0x0;
	_ =	strace $0x9000004A  }
0x3e: {  	s0 =	sadd.s32 @!p0 $0x100000, s1;
	[bflag:$0x2] =	sbarrier.arrive $0xFFFF  }
0x3f: {  	[sflag:s0] =	ssyncadd.tile.s32 @!p0 $0x1;
	_ =	shalt  }
.Lfunc_end1:
_tile_overlayer_lowered:
.L_overlay_start_2:
0x40: {  	(tag) =	ssettag $0x2  }
0x41: {  	s0 =	rddreg [dreg:$0x0];
	s2 =	stileid.u32  }
0x42: {  	s1 =	rddreg [dreg:$0x1];
	p0 =	sne.s32 s2, $0x0  }
0x43: {  	s3 =	rddreg [dreg:$0x2];
	[bflag:$0x3] =	sbarrier.arrive $0xFFFF;
	s2 =	simm.s32 @!p0 $0x1C01  }
0x44: {  	[timem:s3], [sflag:s2] =	dma.local @!p0 [hbm:s0], s1  }
0x45: {  	s0 =	simm.s32 @!p0 $0x1  }
0x46: {  	_ =	swait.ge @!p0 [sflag:s0], s1  }
0x47: {  	s1 =	ssub.s32 @!p0 $0x0, s1;
	[sflag:s0] =	ssyncset.done @!p0 $0x0  }
0x48: {  	[sflag:s0] =	ssyncadd.s32 @!p0 s1  }
0x49: {  	[bflag:$0x3] =	sbarrier.arrive $0xFFFF  }
0x4a: {  	_ =	shalt  }

</sc_bundles>
